<compile_context>
chip_gen: v7x
topology: tpu7x:2x2x1
jax: 0.10.2.dev20260603
libtpu: 0.0.44.dev20260713+nightly
codegen_flags: <defaults>
</compile_context>

<pallas_src>
import functools

import jax
import jax.numpy as jnp
from jax import lax
from jax.experimental import pallas as pl
from jax.experimental.pallas import tpu as pltpu
from jax.experimental.pallas import tpu_sc as plsc

N = 10000
E = 320000
D = 128
G = 64
C = 16

NC = 2
NS = 16
NW = NC * NS
EP = E // NW
K = 40
NCHUNK = EP // K
NP = 10240
RP = NP // NS

def _make_mesh():
    return plsc.VectorSubcoreMesh(core_axis_name="c", subcore_axis_name="s",
                                  num_cores=NC, num_subcores=NS)


KD = 80
NBD = 5
NGD = EP // KD // NBD


@functools.cache
def _get_sc_degree():
  return pl.kernel(
    _sc_degree_body,
    out_type=jax.ShapeDtypeStruct((NC * NP, D), jnp.float32),
    mesh=_make_mesh(),
    scratch_types=[
        pltpu.VMEM((EP,), jnp.int32),
        pltpu.VMEM((KD, D), jnp.float32),
        [pltpu.SemaphoreType.DMA] * NBD,
        pltpu.VMEM_SHARED((NP, D), jnp.float32),
    ],
  )


def _sc_degree_body(col_hbm, ones_hbm, zeros_hbm, degp_hbm, colv, onesv,
                    sems, dega):
    c = lax.axis_index("c")
    s = lax.axis_index("s")
    base = (c * NS + s) * EP
    pltpu.sync_copy(col_hbm.at[pl.ds(base, EP)], colv)
    pltpu.sync_copy(zeros_hbm.at[pl.ds(s * RP, RP)], dega.at[pl.ds(s * RP, RP)])
    pltpu.sync_copy(ones_hbm, onesv)
    plsc.subcore_barrier()

    def rnd(j, carry):
        for b in range(NBD):
            @pl.when(j > 0)
            def _():
                pltpu.make_async_copy(
                    onesv,
                    dega.at[colv.at[pl.ds((j * NBD + b - NBD) * KD, KD)]],
                    sems[b]).wait()
            pltpu.async_copy(
                onesv, dega.at[colv.at[pl.ds((j * NBD + b) * KD, KD)]],
                sems[b], add=True)
        return carry

    lax.fori_loop(0, NGD, rnd, 0)
    for b in range(NBD):
        pltpu.make_async_copy(
            onesv, dega.at[colv.at[pl.ds(((NGD - 1) * NBD + b) * KD, KD)]],
            sems[b]).wait()
    plsc.subcore_barrier()
    pltpu.sync_copy(dega.at[pl.ds(s * RP, RP)],
                    degp_hbm.at[pl.ds(c * NP + s * RP, RP)])


NB = 5
NG = NCHUNK // NB


@functools.cache
def _get_sc_gather_scatter():
  return pl.kernel(
    _sc_gather_scatter_body,
    out_type=jax.ShapeDtypeStruct((NC * NP, D), jnp.float32),
    mesh=_make_mesh(),
    scratch_types=[
        pltpu.VMEM((EP,), jnp.int32),
        pltpu.VMEM((EP,), jnp.int32),
        [pltpu.VMEM((K, D), jnp.float32)] * NB,
        [pltpu.SemaphoreType.DMA] * NB,
        [pltpu.SemaphoreType.DMA] * NB,
        pltpu.VMEM_SHARED((NP, D), jnp.float32),
    ],
  )


def _sc_gather_scatter_body(y_hbm, row_hbm, col_hbm, zeros_hbm, accp_hbm,
                            idxr, idxc, bufs, sem_g, sem_s, acc):
    c = lax.axis_index("c")
    s = lax.axis_index("s")
    base = (c * NS + s) * EP
    pltpu.sync_copy(row_hbm.at[pl.ds(base, EP)], idxr)
    pltpu.sync_copy(col_hbm.at[pl.ds(base, EP)], idxc)
    pltpu.sync_copy(zeros_hbm.at[pl.ds(s * RP, RP)], acc.at[pl.ds(s * RP, RP)])
    plsc.subcore_barrier()

    def rnd(j, carry):
        gds = []
        for b in range(NB):
            @pl.when(j > 0)
            def _():
                pltpu.make_async_copy(
                    bufs[b],
                    acc.at[idxc.at[pl.ds((j * NB + b - NB) * K, K)]],
                    sem_s[b]).wait()
            gds.append(pltpu.async_copy(
                y_hbm.at[idxr.at[pl.ds((j * NB + b) * K, K)]],
                bufs[b], sem_g[b]))
        for b in range(NB):
            gds[b].wait()
            pltpu.async_copy(bufs[b],
                             acc.at[idxc.at[pl.ds((j * NB + b) * K, K)]],
                             sem_s[b], add=True)
        return carry

    lax.fori_loop(0, NG, rnd, 0)
    for b in range(NB):
        pltpu.make_async_copy(
            bufs[b], acc.at[idxc.at[pl.ds(((NG - 1) * NB + b) * K, K)]],
            sem_s[b]).wait()
    plsc.subcore_barrier()
    pltpu.sync_copy(acc.at[pl.ds(s * RP, RP)],
                    accp_hbm.at[pl.ds(c * NP + s * RP, RP)])


def _dinv_from(degp_ref):
    deg = degp_ref[0:N, 0:1] + degp_ref[NP:NP + N, 0:1] + 1.0
    return lax.rsqrt(deg)


def _tc1_body(x_ref, w1_ref, degp_ref, y_ref):
    dinv = _dinv_from(degp_ref)
    xw = jnp.dot(x_ref[...], w1_ref[...], preferred_element_type=jnp.float32)
    y_ref[...] = xw * dinv


def _tc2_body(accp_ref, y1_ref, degp_ref, b1_ref, w2_ref, y2_ref):
    dinv = _dinv_from(degp_ref)
    agg = accp_ref[0:N, :] + accp_ref[NP:NP + N, :] + y1_ref[...]
    h = jnp.maximum(agg * dinv + b1_ref[...], 0.0)
    y2_ref[...] = jnp.dot(h, w2_ref[...], preferred_element_type=jnp.float32) * dinv


def _tc3_body(accp_ref, y2_ref, degp_ref, b2_ref, batch_ref, wc_ref, bc_ref,
              out_ref):
    dinv = _dinv_from(degp_ref)
    agg = accp_ref[0:N, :] + accp_ref[NP:NP + N, :] + y2_ref[...]
    h = jnp.maximum(agg * dinv + b2_ref[...], 0.0)
    gids = lax.broadcasted_iota(jnp.int32, (N, G), 1)
    onehot = (batch_ref[...] == gids).astype(jnp.float32)
    sums = lax.dot_general(onehot, h, (((0,), (0,)), ((), ())),
                           preferred_element_type=jnp.float32)
    counts = lax.dot_general(onehot, jnp.ones((N, 1), jnp.float32),
                             (((0,), (0,)), ((), ())),
                             preferred_element_type=jnp.float32)
    pooled = sums / jnp.maximum(counts, 1.0)
    logits = jnp.dot(pooled, wc_ref[...],
                     preferred_element_type=jnp.float32) + bc_ref[...]
    m = jnp.max(logits, axis=1, keepdims=True)
    ex = jnp.exp(logits - m)
    out_ref[...] = ex / jnp.sum(ex, axis=1, keepdims=True)


_tc1 = pl.pallas_call(
    _tc1_body, out_shape=jax.ShapeDtypeStruct((N, D), jnp.float32))
_tc2 = pl.pallas_call(
    _tc2_body, out_shape=jax.ShapeDtypeStruct((N, D), jnp.float32))
_tc3 = pl.pallas_call(
    _tc3_body, out_shape=jax.ShapeDtypeStruct((G, C), jnp.float32))


def kernel(x, edge_index, batch, W1, b1, W2, b2, Wc, bc):
    row = edge_index[0]
    col = edge_index[1]
    col_flat = col
    zeros128 = jnp.zeros((NP, D), jnp.float32)
    ones128 = jnp.ones((KD, D), jnp.float32)

    degp = _get_sc_degree()(col_flat, ones128, zeros128)
    y1 = _tc1(x, W1, degp)
    accp1 = _get_sc_gather_scatter()(y1, row, col, zeros128)
    y2 = _tc2(accp1, y1, degp, b1.reshape(1, D), W2)
    accp2 = _get_sc_gather_scatter()(y2, row, col, zeros128)
    return _tc3(accp2, y2, degp, b2.reshape(1, D), batch.reshape(N, 1),
                Wc, bc.reshape(1, C))

# --- scband reference (transcript-rebuilt; emitter-appended) ---
"""Pipeline reference for scband-gcn-292057776415 (READ-ONLY COPY).

The authoritative reference and input builder live on the scoring server;
editing this copy changes nothing except your own understanding.
"""

import jax, jax.numpy as jnp
import numpy as np

N = 10000   # nodes
E = 320000  # edges
D = 128     # input_dim
H = 128     # hidden dim (two GCN layers)
C = 16      # output classes
G = 64      # graphs in batch


def setup_inputs(seed: int = 0) -> dict:
    key = jax.random.key(seed)
    ks = jax.random.split(key, 10)
    x = jax.random.normal(ks[0], (N, D), dtype=jnp.float32)
    edge_index = jax.random.randint(ks[1], (2, E), 0, N, dtype=jnp.int32)
    batch = jnp.sort(jax.random.randint(ks[2], (N,), 0, G, dtype=jnp.int32))
    # learned parameters (GCNConv weights + biases, classifier)
    W1 = jax.random.normal(ks[3], (D, H), dtype=jnp.float32) * 0.05
    b1 = jnp.zeros((H,), dtype=jnp.float32)
    W2 = jax.random.normal(ks[4], (H, H), dtype=jnp.float32) * 0.05
    b2 = jnp.zeros((H,), dtype=jnp.float32)
    Wc = jax.random.normal(ks[5], (H, C), dtype=jnp.float32) * 0.05
    bc = jnp.zeros((C,), dtype=jnp.float32)
    return {"x": x, "edge_index": edge_index, "batch": batch,
            "W1": W1, "b1": b1, "W2": W2, "b2": b2, "Wc": Wc, "bc": bc}


def _gcn_conv(x, W, b, edge_index, n_nodes):
    # PyG GCNConv: x' = D^-1/2 (A + I) D^-1/2 X W + b  (edge_weight=None -> ones)
    x = x @ W
    row = edge_index[0]
    col = edge_index[1]
    loop = jnp.arange(n_nodes, dtype=row.dtype)
    row = jnp.concatenate([row, loop])
    col = jnp.concatenate([col, loop])
    ew = jnp.ones(row.shape[0], dtype=x.dtype)
    deg = jnp.zeros((n_nodes,), dtype=x.dtype).at[col].add(ew)
    dinv = jnp.where(deg > 0, jax.lax.rsqrt(deg), 0.0)
    norm = dinv[row] * dinv[col]
    msg = norm[:, None] * x[row]                      # gather
    out = jnp.zeros_like(x).at[col].add(msg)          # scatter-add
    return out + b


def reference(x, edge_index, batch, W1, b1, W2, b2, Wc, bc):
    # similarity_typ=None -> edge_weight None; batch/layer/graph norms disabled; dropout p=0
    h = jax.nn.relu(_gcn_conv(x, W1, b1, edge_index, N))
    h = jax.nn.relu(_gcn_conv(h, W2, b2, edge_index, N))
    # global_mean_pool over batch ids
    counts = jnp.zeros((G,), dtype=h.dtype).at[batch].add(1.0)
    sums = jnp.zeros((G, h.shape[1]), dtype=h.dtype).at[batch].add(h)
    pooled = sums / jnp.maximum(counts, 1.0)[:, None]
    logits = pooled @ Wc + bc
    return jax.nn.softmax(logits, axis=1)

if __name__ == "__main__":
    import jax
    _d = setup_inputs()
    print(jax.jit(kernel)(*tuple(_d.values())))

</pallas_src>

<mosaic_0001>
#map = affine_map<(d0, d1) -> (0, 0)>
#map1 = affine_map<(d0, d1) -> (0)>
module attributes {stable_mosaic.version = 14 : i64} {
  func.func @_sc_gather_scatter_body(%arg0: i32, %arg1: i32, %arg2: memref<10000x128xf32, #tpu.memory_space<hbm>>, %arg3: memref<320000xi32, #tpu.memory_space<hbm>>, %arg4: memref<320000xi32, #tpu.memory_space<hbm>>, %arg5: memref<10240x128xf32, #tpu.memory_space<hbm>>, %arg6: memref<20480x128xf32, #tpu.memory_space<hbm>>, %arg7: memref<10000xi32, #tpu.memory_space<vmem>>, %arg8: memref<10000xi32, #tpu.memory_space<vmem>>, %arg9: memref<40x128xf32, #tpu.memory_space<vmem>>, %arg10: memref<40x128xf32, #tpu.memory_space<vmem>>, %arg11: memref<40x128xf32, #tpu.memory_space<vmem>>, %arg12: memref<40x128xf32, #tpu.memory_space<vmem>>, %arg13: memref<40x128xf32, #tpu.memory_space<vmem>>, %arg14: memref<!tpu.dma_semaphore, #tpu.memory_space<semaphore_mem>>, %arg15: memref<!tpu.dma_semaphore, #tpu.memory_space<semaphore_mem>>, %arg16: memref<!tpu.dma_semaphore, #tpu.memory_space<semaphore_mem>>, %arg17: memref<!tpu.dma_semaphore, #tpu.memory_space<semaphore_mem>>, %arg18: memref<!tpu.dma_semaphore, #tpu.memory_space<semaphore_mem>>, %arg19: memref<!tpu.dma_semaphore, #tpu.memory_space<semaphore_mem>>, %arg20: memref<!tpu.dma_semaphore, #tpu.memory_space<semaphore_mem>>, %arg21: memref<!tpu.dma_semaphore, #tpu.memory_space<semaphore_mem>>, %arg22: memref<!tpu.dma_semaphore, #tpu.memory_space<semaphore_mem>>, %arg23: memref<!tpu.dma_semaphore, #tpu.memory_space<semaphore_mem>>, %arg24: memref<10240x128xf32, #tpu.memory_space<vmem_shared>>) attributes {dimension_semantics = [#tpu.dimension_semantics<core_parallel>, #tpu.dimension_semantics<subcore_parallel>], iteration_bounds = array<i64: 2, 16>, scalar_prefetch = 0 : i64, scratch_operands = 18 : i64, tpu.core_type = #tpu.core_type<sc_vector_subcore>, window_params = [{transform_indices = #map}, {transform_indices = #map1}, {transform_indices = #map1}, {transform_indices = #map}, {transform_indices = #map}]} {
    %mul3A = arith.constant 16 : i32
    %mul3A_0 = arith.muli %arg0, %mul3A : i32
    %add3A = arith.addi %mul3A_0, %arg1 : i32
    %mul3A_1 = arith.constant 10000 : i32
    %mul3A_2 = arith.muli %add3A, %mul3A_1 : i32
    "tpu.region"() ({
      %run_scoped3A = tpu.sem_alloc : memref<!tpu.dma_semaphore, #tpu.memory_space<semaphore_mem>>
      %dma_start3A = tpu.memref_slice %arg3[%mul3A_2] : memref<320000xi32, #tpu.memory_space<hbm>> -> memref<10000xi32, #tpu.memory_space<hbm>>
      %dma_start3A_44 = tpu.memref_slice %arg3[%mul3A_2] : memref<320000xi32, #tpu.memory_space<hbm>> -> memref<10000xi32, #tpu.memory_space<hbm>>
      tpu.enqueue_dma source(%dma_start3A_44 : memref<10000xi32, #tpu.memory_space<hbm>>) target(%arg7 : memref<10000xi32, #tpu.memory_space<vmem>>) target_semaphore(%run_scoped3A : memref<!tpu.dma_semaphore, #tpu.memory_space<semaphore_mem>>)
      %dma_wait3A_45 = tpu.memref_slice %arg3[%mul3A_2] : memref<320000xi32, #tpu.memory_space<hbm>> -> memref<10000xi32, #tpu.memory_space<hbm>>
      %dma_wait3A_46 = tpu.memref_slice %arg3[%mul3A_2] : memref<320000xi32, #tpu.memory_space<hbm>> -> memref<10000xi32, #tpu.memory_space<hbm>>
      tpu.wait_dma2 semaphore(%run_scoped3A : memref<!tpu.dma_semaphore, #tpu.memory_space<semaphore_mem>>) src(%dma_wait3A_46 : memref<10000xi32, #tpu.memory_space<hbm>>) dst(%arg7 : memref<10000xi32, #tpu.memory_space<vmem>>)
      tpu.yield
    }) : () -> ()
    "tpu.region"() ({
      %run_scoped3A = tpu.sem_alloc : memref<!tpu.dma_semaphore, #tpu.memory_space<semaphore_mem>>
      %dma_start3A = tpu.memref_slice %arg4[%mul3A_2] : memref<320000xi32, #tpu.memory_space<hbm>> -> memref<10000xi32, #tpu.memory_space<hbm>>
      %dma_start3A_44 = tpu.memref_slice %arg4[%mul3A_2] : memref<320000xi32, #tpu.memory_space<hbm>> -> memref<10000xi32, #tpu.memory_space<hbm>>
      tpu.enqueue_dma source(%dma_start3A_44 : memref<10000xi32, #tpu.memory_space<hbm>>) target(%arg8 : memref<10000xi32, #tpu.memory_space<vmem>>) target_semaphore(%run_scoped3A : memref<!tpu.dma_semaphore, #tpu.memory_space<semaphore_mem>>)
      %dma_wait3A_45 = tpu.memref_slice %arg4[%mul3A_2] : memref<320000xi32, #tpu.memory_space<hbm>> -> memref<10000xi32, #tpu.memory_space<hbm>>
      %dma_wait3A_46 = tpu.memref_slice %arg4[%mul3A_2] : memref<320000xi32, #tpu.memory_space<hbm>> -> memref<10000xi32, #tpu.memory_space<hbm>>
      tpu.wait_dma2 semaphore(%run_scoped3A : memref<!tpu.dma_semaphore, #tpu.memory_space<semaphore_mem>>) src(%dma_wait3A_46 : memref<10000xi32, #tpu.memory_space<hbm>>) dst(%arg8 : memref<10000xi32, #tpu.memory_space<vmem>>)
      tpu.yield
    }) : () -> ()
    %mul3A_3 = arith.constant 640 : i32
    %mul3A_4 = arith.muli %arg1, %mul3A_3 : i32
    %mul3A_5 = arith.constant 640 : i32
    %mul3A_6 = arith.muli %arg1, %mul3A_5 : i32
    "tpu.region"() ({
      %run_scoped3A = tpu.sem_alloc : memref<!tpu.dma_semaphore, #tpu.memory_space<semaphore_mem>>
      %dma_start3A = arith.constant 0 : i32
      %dma_start3A_44 = tpu.memref_slice %arg24[%mul3A_6, %dma_start3A] : memref<10240x128xf32, #tpu.memory_space<vmem_shared>> -> memref<640x128xf32, #tpu.memory_space<vmem_shared>>
      %dma_start3A_45 = arith.constant 0 : i32
      %dma_start3A_46 = tpu.memref_slice %arg5[%mul3A_4, %dma_start3A_45] : memref<10240x128xf32, #tpu.memory_space<hbm>> -> memref<640x128xf32, #tpu.memory_space<hbm>>
      tpu.enqueue_dma source(%dma_start3A_46 : memref<640x128xf32, #tpu.memory_space<hbm>>) target(%dma_start3A_44 : memref<640x128xf32, #tpu.memory_space<vmem_shared>>) target_semaphore(%run_scoped3A : memref<!tpu.dma_semaphore, #tpu.memory_space<semaphore_mem>>)
      %dma_wait3A_47 = arith.constant 0 : i32
      %dma_wait3A_48 = tpu.memref_slice %arg24[%mul3A_6, %dma_wait3A_47] : memref<10240x128xf32, #tpu.memory_space<vmem_shared>> -> memref<640x128xf32, #tpu.memory_space<vmem_shared>>
      %dma_wait3A_49 = arith.constant 0 : i32
      %dma_wait3A_50 = tpu.memref_slice %arg5[%mul3A_4, %dma_wait3A_49] : memref<10240x128xf32, #tpu.memory_space<hbm>> -> memref<640x128xf32, #tpu.memory_space<hbm>>
      tpu.wait_dma2 semaphore(%run_scoped3A : memref<!tpu.dma_semaphore, #tpu.memory_space<semaphore_mem>>) src(%dma_wait3A_50 : memref<640x128xf32, #tpu.memory_space<hbm>>) dst(%dma_wait3A_48 : memref<640x128xf32, #tpu.memory_space<vmem_shared>>)
      tpu.yield
    }) : () -> ()
    %barrier3A = arith.constant 0 : index
    tpu.barrier barrier_id(%barrier3A)
    %scan3A = arith.constant 0 : i32
    %scan3A_7 = arith.constant 0 : i32
    %scan3A_8 = arith.constant 50 : i32
    %scan3A_9 = arith.addi %scan3A_7, %scan3A_8 : i32
    %scan3A_10 = arith.constant 1 : i32
    scf.for %scan3A_44 = %scan3A_7 to %scan3A_9 step %scan3A_10  : i32 {
      %gt3A = arith.constant 0 : i32
      %gt3A_45 = arith.cmpi sgt, %scan3A_44, %gt3A : i32
      %convert_element_type3A = arith.extui %gt3A_45 : i1 to i32
      %cond3A = arith.constant 0 : i32
      %cond3A_46 = arith.cmpi ne, %convert_element_type3A, %cond3A : i32
      scf.if %cond3A_46 {
        %mul3A_186 = arith.constant 5 : i32
        %mul3A_187 = arith.muli %scan3A_44, %mul3A_186 : i32
        %add3A_188 = arith.constant 0 : i32
        %add3A_189 = arith.addi %mul3A_187, %add3A_188 : i32
        %sub3A = arith.constant 5 : i32
        %sub3A_190 = arith.subi %add3A_189, %sub3A : i32
        %mul3A_191 = arith.constant 40 : i32
        %mul3A_192 = arith.muli %sub3A_190, %mul3A_191 : i32
        %dma_wait3A_193 = tpu.memref_slice %arg8[%mul3A_192] : memref<10000xi32, #tpu.memory_space<vmem>> -> memref<40xi32, #tpu.memory_space<vmem>>
        %dma_wait3A_194 = arith.constant 0 : i32
        %dma_wait3A_195 = arith.constant 0 : i32
        %dma_wait3A_196 = tpu.memref_slice %arg24[%dma_wait3A_194, %dma_wait3A_195] : memref<10240x128xf32, #tpu.memory_space<vmem_shared>> -> memref<10240x128xf32, #tpu.memory_space<vmem_shared>>
        tpu.wait_indirect_dma semaphore(%arg19 : memref<!tpu.dma_semaphore, #tpu.memory_space<semaphore_mem>>) src(%arg9 : memref<40x128xf32, #tpu.memory_space<vmem>>) dst(%dma_wait3A_196 : memref<10240x128xf32, #tpu.memory_space<vmem_shared>>)
      } else {
      }
      %mul3A_47 = arith.constant 5 : i32
      %mul3A_48 = arith.muli %scan3A_44, %mul3A_47 : i32
      %add3A_49 = arith.constant 0 : i32
      %add3A_50 = arith.addi %mul3A_48, %add3A_49 : i32
      %mul3A_51 = arith.constant 40 : i32
      %mul3A_52 = arith.muli %add3A_50, %mul3A_51 : i32
      %dma_start3A = tpu.memref_slice %arg7[%mul3A_52] : memref<10000xi32, #tpu.memory_space<vmem>> -> memref<40xi32, #tpu.memory_space<vmem>>
      %dma_start3A_53 = arith.constant 0 : i32
      %dma_start3A_54 = arith.constant 0 : i32
      %dma_start3A_55 = tpu.memref_slice %arg2[%dma_start3A_53, %dma_start3A_54] : memref<10000x128xf32, #tpu.memory_space<hbm>> -> memref<10000x128xf32, #tpu.memory_space<hbm>>
      tpu.enqueue_indirect_dma source(%dma_start3A_55 : memref<10000x128xf32, #tpu.memory_space<hbm>>) target(%arg9 : memref<40x128xf32, #tpu.memory_space<vmem>>) offsets(%dma_start3A : memref<40xi32, #tpu.memory_space<vmem>>) semaphore(%arg14 : memref<!tpu.dma_semaphore, #tpu.memory_space<semaphore_mem>>)
      %gt3A_56 = arith.constant 0 : i32
      %gt3A_57 = arith.cmpi sgt, %scan3A_44, %gt3A_56 : i32
      %convert_element_type3A_58 = arith.extui %gt3A_57 : i1 to i32
      %cond3A_59 = arith.constant 0 : i32
      %cond3A_60 = arith.cmpi ne, %convert_element_type3A_58, %cond3A_59 : i32
      scf.if %cond3A_60 {
        %mul3A_186 = arith.constant 5 : i32
        %mul3A_187 = arith.muli %scan3A_44, %mul3A_186 : i32
        %add3A_188 = arith.constant 1 : i32
        %add3A_189 = arith.addi %mul3A_187, %add3A_188 : i32
        %sub3A = arith.constant 5 : i32
        %sub3A_190 = arith.subi %add3A_189, %sub3A : i32
        %mul3A_191 = arith.constant 40 : i32
        %mul3A_192 = arith.muli %sub3A_190, %mul3A_191 : i32
        %dma_wait3A_193 = tpu.memref_slice %arg8[%mul3A_192] : memref<10000xi32, #tpu.memory_space<vmem>> -> memref<40xi32, #tpu.memory_space<vmem>>
        %dma_wait3A_194 = arith.constant 0 : i32
        %dma_wait3A_195 = arith.constant 0 : i32
        %dma_wait3A_196 = tpu.memref_slice %arg24[%dma_wait3A_194, %dma_wait3A_195] : memref<10240x128xf32, #tpu.memory_space<vmem_shared>> -> memref<10240x128xf32, #tpu.memory_space<vmem_shared>>
        tpu.wait_indirect_dma semaphore(%arg20 : memref<!tpu.dma_semaphore, #tpu.memory_space<semaphore_mem>>) src(%arg10 : memref<40x128xf32, #tpu.memory_space<vmem>>) dst(%dma_wait3A_196 : memref<10240x128xf32, #tpu.memory_space<vmem_shared>>)
      } else {
      }
      %mul3A_61 = arith.constant 5 : i32
      %mul3A_62 = arith.muli %scan3A_44, %mul3A_61 : i32
      %add3A_63 = arith.constant 1 : i32
      %add3A_64 = arith.addi %mul3A_62, %add3A_63 : i32
      %mul3A_65 = arith.constant 40 : i32
      %mul3A_66 = arith.muli %add3A_64, %mul3A_65 : i32
      %dma_start3A_67 = tpu.memref_slice %arg7[%mul3A_66] : memref<10000xi32, #tpu.memory_space<vmem>> -> memref<40xi32, #tpu.memory_space<vmem>>
      %dma_start3A_68 = arith.constant 0 : i32
      %dma_start3A_69 = arith.constant 0 : i32
      %dma_start3A_70 = tpu.memref_slice %arg2[%dma_start3A_68, %dma_start3A_69] : memref<10000x128xf32, #tpu.memory_space<hbm>> -> memref<10000x128xf32, #tpu.memory_space<hbm>>
      tpu.enqueue_indirect_dma source(%dma_start3A_70 : memref<10000x128xf32, #tpu.memory_space<hbm>>) target(%arg10 : memref<40x128xf32, #tpu.memory_space<vmem>>) offsets(%dma_start3A_67 : memref<40xi32, #tpu.memory_space<vmem>>) semaphore(%arg15 : memref<!tpu.dma_semaphore, #tpu.memory_space<semaphore_mem>>)
      %gt3A_71 = arith.constant 0 : i32
      %gt3A_72 = arith.cmpi sgt, %scan3A_44, %gt3A_71 : i32
      %convert_element_type3A_73 = arith.extui %gt3A_72 : i1 to i32
      %cond3A_74 = arith.constant 0 : i32
      %cond3A_75 = arith.cmpi ne, %convert_element_type3A_73, %cond3A_74 : i32
      scf.if %cond3A_75 {
        %mul3A_186 = arith.constant 5 : i32
        %mul3A_187 = arith.muli %scan3A_44, %mul3A_186 : i32
        %add3A_188 = arith.constant 2 : i32
        %add3A_189 = arith.addi %mul3A_187, %add3A_188 : i32
        %sub3A = arith.constant 5 : i32
        %sub3A_190 = arith.subi %add3A_189, %sub3A : i32
        %mul3A_191 = arith.constant 40 : i32
        %mul3A_192 = arith.muli %sub3A_190, %mul3A_191 : i32
        %dma_wait3A_193 = tpu.memref_slice %arg8[%mul3A_192] : memref<10000xi32, #tpu.memory_space<vmem>> -> memref<40xi32, #tpu.memory_space<vmem>>
        %dma_wait3A_194 = arith.constant 0 : i32
        %dma_wait3A_195 = arith.constant 0 : i32
        %dma_wait3A_196 = tpu.memref_slice %arg24[%dma_wait3A_194, %dma_wait3A_195] : memref<10240x128xf32, #tpu.memory_space<vmem_shared>> -> memref<10240x128xf32, #tpu.memory_space<vmem_shared>>
        tpu.wait_indirect_dma semaphore(%arg21 : memref<!tpu.dma_semaphore, #tpu.memory_space<semaphore_mem>>) src(%arg11 : memref<40x128xf32, #tpu.memory_space<vmem>>) dst(%dma_wait3A_196 : memref<10240x128xf32, #tpu.memory_space<vmem_shared>>)
      } else {
      }
      %mul3A_76 = arith.constant 5 : i32
      %mul3A_77 = arith.muli %scan3A_44, %mul3A_76 : i32
      %add3A_78 = arith.constant 2 : i32
      %add3A_79 = arith.addi %mul3A_77, %add3A_78 : i32
      %mul3A_80 = arith.constant 40 : i32
      %mul3A_81 = arith.muli %add3A_79, %mul3A_80 : i32
      %dma_start3A_82 = tpu.memref_slice %arg7[%mul3A_81] : memref<10000xi32, #tpu.memory_space<vmem>> -> memref<40xi32, #tpu.memory_space<vmem>>
      %dma_start3A_83 = arith.constant 0 : i32
      %dma_start3A_84 = arith.constant 0 : i32
      %dma_start3A_85 = tpu.memref_slice %arg2[%dma_start3A_83, %dma_start3A_84] : memref<10000x128xf32, #tpu.memory_space<hbm>> -> memref<10000x128xf32, #tpu.memory_space<hbm>>
      tpu.enqueue_indirect_dma source(%dma_start3A_85 : memref<10000x128xf32, #tpu.memory_space<hbm>>) target(%arg11 : memref<40x128xf32, #tpu.memory_space<vmem>>) offsets(%dma_start3A_82 : memref<40xi32, #tpu.memory_space<vmem>>) semaphore(%arg16 : memref<!tpu.dma_semaphore, #tpu.memory_space<semaphore_mem>>)
      %gt3A_86 = arith.constant 0 : i32
      %gt3A_87 = arith.cmpi sgt, %scan3A_44, %gt3A_86 : i32
      %convert_element_type3A_88 = arith.extui %gt3A_87 : i1 to i32
      %cond3A_89 = arith.constant 0 : i32
      %cond3A_90 = arith.cmpi ne, %convert_element_type3A_88, %cond3A_89 : i32
      scf.if %cond3A_90 {
        %mul3A_186 = arith.constant 5 : i32
        %mul3A_187 = arith.muli %scan3A_44, %mul3A_186 : i32
        %add3A_188 = arith.constant 3 : i32
        %add3A_189 = arith.addi %mul3A_187, %add3A_188 : i32
        %sub3A = arith.constant 5 : i32
        %sub3A_190 = arith.subi %add3A_189, %sub3A : i32
        %mul3A_191 = arith.constant 40 : i32
        %mul3A_192 = arith.muli %sub3A_190, %mul3A_191 : i32
        %dma_wait3A_193 = tpu.memref_slice %arg8[%mul3A_192] : memref<10000xi32, #tpu.memory_space<vmem>> -> memref<40xi32, #tpu.memory_space<vmem>>
        %dma_wait3A_194 = arith.constant 0 : i32
        %dma_wait3A_195 = arith.constant 0 : i32
        %dma_wait3A_196 = tpu.memref_slice %arg24[%dma_wait3A_194, %dma_wait3A_195] : memref<10240x128xf32, #tpu.memory_space<vmem_shared>> -> memref<10240x128xf32, #tpu.memory_space<vmem_shared>>
        tpu.wait_indirect_dma semaphore(%arg22 : memref<!tpu.dma_semaphore, #tpu.memory_space<semaphore_mem>>) src(%arg12 : memref<40x128xf32, #tpu.memory_space<vmem>>) dst(%dma_wait3A_196 : memref<10240x128xf32, #tpu.memory_space<vmem_shared>>)
      } else {
      }
      %mul3A_91 = arith.constant 5 : i32
      %mul3A_92 = arith.muli %scan3A_44, %mul3A_91 : i32
      %add3A_93 = arith.constant 3 : i32
      %add3A_94 = arith.addi %mul3A_92, %add3A_93 : i32
      %mul3A_95 = arith.constant 40 : i32
      %mul3A_96 = arith.muli %add3A_94, %mul3A_95 : i32
      %dma_start3A_97 = tpu.memref_slice %arg7[%mul3A_96] : memref<10000xi32, #tpu.memory_space<vmem>> -> memref<40xi32, #tpu.memory_space<vmem>>
      %dma_start3A_98 = arith.constant 0 : i32
      %dma_start3A_99 = arith.constant 0 : i32
      %dma_start3A_100 = tpu.memref_slice %arg2[%dma_start3A_98, %dma_start3A_99] : memref<10000x128xf32, #tpu.memory_space<hbm>> -> memref<10000x128xf32, #tpu.memory_space<hbm>>
      tpu.enqueue_indirect_dma source(%dma_start3A_100 : memref<10000x128xf32, #tpu.memory_space<hbm>>) target(%arg12 : memref<40x128xf32, #tpu.memory_space<vmem>>) offsets(%dma_start3A_97 : memref<40xi32, #tpu.memory_space<vmem>>) semaphore(%arg17 : memref<!tpu.dma_semaphore, #tpu.memory_space<semaphore_mem>>)
      %gt3A_101 = arith.constant 0 : i32
      %gt3A_102 = arith.cmpi sgt, %scan3A_44, %gt3A_101 : i32
      %convert_element_type3A_103 = arith.extui %gt3A_102 : i1 to i32
      %cond3A_104 = arith.constant 0 : i32
      %cond3A_105 = arith.cmpi ne, %convert_element_type3A_103, %cond3A_104 : i32
      scf.if %cond3A_105 {
        %mul3A_186 = arith.constant 5 : i32
        %mul3A_187 = arith.muli %scan3A_44, %mul3A_186 : i32
        %add3A_188 = arith.constant 4 : i32
        %add3A_189 = arith.addi %mul3A_187, %add3A_188 : i32
        %sub3A = arith.constant 5 : i32
        %sub3A_190 = arith.subi %add3A_189, %sub3A : i32
        %mul3A_191 = arith.constant 40 : i32
        %mul3A_192 = arith.muli %sub3A_190, %mul3A_191 : i32
        %dma_wait3A_193 = tpu.memref_slice %arg8[%mul3A_192] : memref<10000xi32, #tpu.memory_space<vmem>> -> memref<40xi32, #tpu.memory_space<vmem>>
        %dma_wait3A_194 = arith.constant 0 : i32
        %dma_wait3A_195 = arith.constant 0 : i32
        %dma_wait3A_196 = tpu.memref_slice %arg24[%dma_wait3A_194, %dma_wait3A_195] : memref<10240x128xf32, #tpu.memory_space<vmem_shared>> -> memref<10240x128xf32, #tpu.memory_space<vmem_shared>>
        tpu.wait_indirect_dma semaphore(%arg23 : memref<!tpu.dma_semaphore, #tpu.memory_space<semaphore_mem>>) src(%arg13 : memref<40x128xf32, #tpu.memory_space<vmem>>) dst(%dma_wait3A_196 : memref<10240x128xf32, #tpu.memory_space<vmem_shared>>)
      } else {
      }
      %mul3A_106 = arith.constant 5 : i32
      %mul3A_107 = arith.muli %scan3A_44, %mul3A_106 : i32
      %add3A_108 = arith.constant 4 : i32
      %add3A_109 = arith.addi %mul3A_107, %add3A_108 : i32
      %mul3A_110 = arith.constant 40 : i32
      %mul3A_111 = arith.muli %add3A_109, %mul3A_110 : i32
      %dma_start3A_112 = tpu.memref_slice %arg7[%mul3A_111] : memref<10000xi32, #tpu.memory_space<vmem>> -> memref<40xi32, #tpu.memory_space<vmem>>
      %dma_start3A_113 = arith.constant 0 : i32
      %dma_start3A_114 = arith.constant 0 : i32
      %dma_start3A_115 = tpu.memref_slice %arg2[%dma_start3A_113, %dma_start3A_114] : memref<10000x128xf32, #tpu.memory_space<hbm>> -> memref<10000x128xf32, #tpu.memory_space<hbm>>
      tpu.enqueue_indirect_dma source(%dma_start3A_115 : memref<10000x128xf32, #tpu.memory_space<hbm>>) target(%arg13 : memref<40x128xf32, #tpu.memory_space<vmem>>) offsets(%dma_start3A_112 : memref<40xi32, #tpu.memory_space<vmem>>) semaphore(%arg18 : memref<!tpu.dma_semaphore, #tpu.memory_space<semaphore_mem>>)
      %dma_wait3A_116 = tpu.memref_slice %arg7[%mul3A_52] : memref<10000xi32, #tpu.memory_space<vmem>> -> memref<40xi32, #tpu.memory_space<vmem>>
      %dma_wait3A_117 = arith.constant 0 : i32
      %dma_wait3A_118 = arith.constant 0 : i32
      %dma_wait3A_119 = tpu.memref_slice %arg2[%dma_wait3A_117, %dma_wait3A_118] : memref<10000x128xf32, #tpu.memory_space<hbm>> -> memref<10000x128xf32, #tpu.memory_space<hbm>>
      tpu.wait_indirect_dma semaphore(%arg14 : memref<!tpu.dma_semaphore, #tpu.memory_space<semaphore_mem>>) src(%dma_wait3A_119 : memref<10000x128xf32, #tpu.memory_space<hbm>>) dst(%arg9 : memref<40x128xf32, #tpu.memory_space<vmem>>)
      %mul3A_120 = arith.constant 5 : i32
      %mul3A_121 = arith.muli %scan3A_44, %mul3A_120 : i32
      %add3A_122 = arith.constant 0 : i32
      %add3A_123 = arith.addi %mul3A_121, %add3A_122 : i32
      %mul3A_124 = arith.constant 40 : i32
      %mul3A_125 = arith.muli %add3A_123, %mul3A_124 : i32
      %dma_start3A_126 = tpu.memref_slice %arg8[%mul3A_125] : memref<10000xi32, #tpu.memory_space<vmem>> -> memref<40xi32, #tpu.memory_space<vmem>>
      %dma_start3A_127 = arith.constant 0 : i32
      %dma_start3A_128 = arith.constant 0 : i32
      %dma_start3A_129 = tpu.memref_slice %arg24[%dma_start3A_127, %dma_start3A_128] : memref<10240x128xf32, #tpu.memory_space<vmem_shared>> -> memref<10240x128xf32, #tpu.memory_space<vmem_shared>>
      tpu.enqueue_indirect_dma source(%arg9 : memref<40x128xf32, #tpu.memory_space<vmem>>) target(%dma_start3A_129 : memref<10240x128xf32, #tpu.memory_space<vmem_shared>>) offsets(%dma_start3A_126 : memref<40xi32, #tpu.memory_space<vmem>>) semaphore(%arg19 : memref<!tpu.dma_semaphore, #tpu.memory_space<semaphore_mem>>) {add = true}
      %dma_wait3A_130 = tpu.memref_slice %arg7[%mul3A_66] : memref<10000xi32, #tpu.memory_space<vmem>> -> memref<40xi32, #tpu.memory_space<vmem>>
      %dma_wait3A_131 = arith.constant 0 : i32
      %dma_wait3A_132 = arith.constant 0 : i32
      %dma_wait3A_133 = tpu.memref_slice %arg2[%dma_wait3A_131, %dma_wait3A_132] : memref<10000x128xf32, #tpu.memory_space<hbm>> -> memref<10000x128xf32, #tpu.memory_space<hbm>>
      tpu.wait_indirect_dma semaphore(%arg15 : memref<!tpu.dma_semaphore, #tpu.memory_space<semaphore_mem>>) src(%dma_wait3A_133 : memref<10000x128xf32, #tpu.memory_space<hbm>>) dst(%arg10 : memref<40x128xf32, #tpu.memory_space<vmem>>)
      %mul3A_134 = arith.constant 5 : i32
      %mul3A_135 = arith.muli %scan3A_44, %mul3A_134 : i32
      %add3A_136 = arith.constant 1 : i32
      %add3A_137 = arith.addi %mul3A_135, %add3A_136 : i32
      %mul3A_138 = arith.constant 40 : i32
      %mul3A_139 = arith.muli %add3A_137, %mul3A_138 : i32
      %dma_start3A_140 = tpu.memref_slice %arg8[%mul3A_139] : memref<10000xi32, #tpu.memory_space<vmem>> -> memref<40xi32, #tpu.memory_space<vmem>>
      %dma_start3A_141 = arith.constant 0 : i32
      %dma_start3A_142 = arith.constant 0 : i32
      %dma_start3A_143 = tpu.memref_slice %arg24[%dma_start3A_141, %dma_start3A_142] : memref<10240x128xf32, #tpu.memory_space<vmem_shared>> -> memref<10240x128xf32, #tpu.memory_space<vmem_shared>>
      tpu.enqueue_indirect_dma source(%arg10 : memref<40x128xf32, #tpu.memory_space<vmem>>) target(%dma_start3A_143 : memref<10240x128xf32, #tpu.memory_space<vmem_shared>>) offsets(%dma_start3A_140 : memref<40xi32, #tpu.memory_space<vmem>>) semaphore(%arg20 : memref<!tpu.dma_semaphore, #tpu.memory_space<semaphore_mem>>) {add = true}
      %dma_wait3A_144 = tpu.memref_slice %arg7[%mul3A_81] : memref<10000xi32, #tpu.memory_space<vmem>> -> memref<40xi32, #tpu.memory_space<vmem>>
      %dma_wait3A_145 = arith.constant 0 : i32
      %dma_wait3A_146 = arith.constant 0 : i32
      %dma_wait3A_147 = tpu.memref_slice %arg2[%dma_wait3A_145, %dma_wait3A_146] : memref<10000x128xf32, #tpu.memory_space<hbm>> -> memref<10000x128xf32, #tpu.memory_space<hbm>>
      tpu.wait_indirect_dma semaphore(%arg16 : memref<!tpu.dma_semaphore, #tpu.memory_space<semaphore_mem>>) src(%dma_wait3A_147 : memref<10000x128xf32, #tpu.memory_space<hbm>>) dst(%arg11 : memref<40x128xf32, #tpu.memory_space<vmem>>)
      %mul3A_148 = arith.constant 5 : i32
      %mul3A_149 = arith.muli %scan3A_44, %mul3A_148 : i32
      %add3A_150 = arith.constant 2 : i32
      %add3A_151 = arith.addi %mul3A_149, %add3A_150 : i32
      %mul3A_152 = arith.constant 40 : i32
      %mul3A_153 = arith.muli %add3A_151, %mul3A_152 : i32
      %dma_start3A_154 = tpu.memref_slice %arg8[%mul3A_153] : memref<10000xi32, #tpu.memory_space<vmem>> -> memref<40xi32, #tpu.memory_space<vmem>>
      %dma_start3A_155 = arith.constant 0 : i32
      %dma_start3A_156 = arith.constant 0 : i32
      %dma_start3A_157 = tpu.memref_slice %arg24[%dma_start3A_155, %dma_start3A_156] : memref<10240x128xf32, #tpu.memory_space<vmem_shared>> -> memref<10240x128xf32, #tpu.memory_space<vmem_shared>>
      tpu.enqueue_indirect_dma source(%arg11 : memref<40x128xf32, #tpu.memory_space<vmem>>) target(%dma_start3A_157 : memref<10240x128xf32, #tpu.memory_space<vmem_shared>>) offsets(%dma_start3A_154 : memref<40xi32, #tpu.memory_space<vmem>>) semaphore(%arg21 : memref<!tpu.dma_semaphore, #tpu.memory_space<semaphore_mem>>) {add = true}
      %dma_wait3A_158 = tpu.memref_slice %arg7[%mul3A_96] : memref<10000xi32, #tpu.memory_space<vmem>> -> memref<40xi32, #tpu.memory_space<vmem>>
      %dma_wait3A_159 = arith.constant 0 : i32
      %dma_wait3A_160 = arith.constant 0 : i32
      %dma_wait3A_161 = tpu.memref_slice %arg2[%dma_wait3A_159, %dma_wait3A_160] : memref<10000x128xf32, #tpu.memory_space<hbm>> -> memref<10000x128xf32, #tpu.memory_space<hbm>>
      tpu.wait_indirect_dma semaphore(%arg17 : memref<!tpu.dma_semaphore, #tpu.memory_space<semaphore_mem>>) src(%dma_wait3A_161 : memref<10000x128xf32, #tpu.memory_space<hbm>>) dst(%arg12 : memref<40x128xf32, #tpu.memory_space<vmem>>)
      %mul3A_162 = arith.constant 5 : i32
      %mul3A_163 = arith.muli %scan3A_44, %mul3A_162 : i32
      %add3A_164 = arith.constant 3 : i32
      %add3A_165 = arith.addi %mul3A_163, %add3A_164 : i32
      %mul3A_166 = arith.constant 40 : i32
      %mul3A_167 = arith.muli %add3A_165, %mul3A_166 : i32
      %dma_start3A_168 = tpu.memref_slice %arg8[%mul3A_167] : memref<10000xi32, #tpu.memory_space<vmem>> -> memref<40xi32, #tpu.memory_space<vmem>>
      %dma_start3A_169 = arith.constant 0 : i32
      %dma_start3A_170 = arith.constant 0 : i32
      %dma_start3A_171 = tpu.memref_slice %arg24[%dma_start3A_169, %dma_start3A_170] : memref<10240x128xf32, #tpu.memory_space<vmem_shared>> -> memref<10240x128xf32, #tpu.memory_space<vmem_shared>>
      tpu.enqueue_indirect_dma source(%arg12 : memref<40x128xf32, #tpu.memory_space<vmem>>) target(%dma_start3A_171 : memref<10240x128xf32, #tpu.memory_space<vmem_shared>>) offsets(%dma_start3A_168 : memref<40xi32, #tpu.memory_space<vmem>>) semaphore(%arg22 : memref<!tpu.dma_semaphore, #tpu.memory_space<semaphore_mem>>) {add = true}
      %dma_wait3A_172 = tpu.memref_slice %arg7[%mul3A_111] : memref<10000xi32, #tpu.memory_space<vmem>> -> memref<40xi32, #tpu.memory_space<vmem>>
      %dma_wait3A_173 = arith.constant 0 : i32
      %dma_wait3A_174 = arith.constant 0 : i32
      %dma_wait3A_175 = tpu.memref_slice %arg2[%dma_wait3A_173, %dma_wait3A_174] : memref<10000x128xf32, #tpu.memory_space<hbm>> -> memref<10000x128xf32, #tpu.memory_space<hbm>>
      tpu.wait_indirect_dma semaphore(%arg18 : memref<!tpu.dma_semaphore, #tpu.memory_space<semaphore_mem>>) src(%dma_wait3A_175 : memref<10000x128xf32, #tpu.memory_space<hbm>>) dst(%arg13 : memref<40x128xf32, #tpu.memory_space<vmem>>)
      %mul3A_176 = arith.constant 5 : i32
      %mul3A_177 = arith.muli %scan3A_44, %mul3A_176 : i32
      %add3A_178 = arith.constant 4 : i32
      %add3A_179 = arith.addi %mul3A_177, %add3A_178 : i32
      %mul3A_180 = arith.constant 40 : i32
      %mul3A_181 = arith.muli %add3A_179, %mul3A_180 : i32
      %dma_start3A_182 = tpu.memref_slice %arg8[%mul3A_181] : memref<10000xi32, #tpu.memory_space<vmem>> -> memref<40xi32, #tpu.memory_space<vmem>>
      %dma_start3A_183 = arith.constant 0 : i32
      %dma_start3A_184 = arith.constant 0 : i32
      %dma_start3A_185 = tpu.memref_slice %arg24[%dma_start3A_183, %dma_start3A_184] : memref<10240x128xf32, #tpu.memory_space<vmem_shared>> -> memref<10240x128xf32, #tpu.memory_space<vmem_shared>>
      tpu.enqueue_indirect_dma source(%arg13 : memref<40x128xf32, #tpu.memory_space<vmem>>) target(%dma_start3A_185 : memref<10240x128xf32, #tpu.memory_space<vmem_shared>>) offsets(%dma_start3A_182 : memref<40xi32, #tpu.memory_space<vmem>>) semaphore(%arg23 : memref<!tpu.dma_semaphore, #tpu.memory_space<semaphore_mem>>) {add = true}
    }
    %scan3A_11 = arith.constant 50 : i32
    %dma_wait3A = arith.constant 9800 : i32
    %dma_wait3A_12 = tpu.memref_slice %arg8[%dma_wait3A] : memref<10000xi32, #tpu.memory_space<vmem>> -> memref<40xi32, #tpu.memory_space<vmem>>
    %dma_wait3A_13 = arith.constant 0 : i32
    %dma_wait3A_14 = arith.constant 0 : i32
    %dma_wait3A_15 = tpu.memref_slice %arg24[%dma_wait3A_13, %dma_wait3A_14] : memref<10240x128xf32, #tpu.memory_space<vmem_shared>> -> memref<10240x128xf32, #tpu.memory_space<vmem_shared>>
    tpu.wait_indirect_dma semaphore(%arg19 : memref<!tpu.dma_semaphore, #tpu.memory_space<semaphore_mem>>) src(%arg9 : memref<40x128xf32, #tpu.memory_space<vmem>>) dst(%dma_wait3A_15 : memref<10240x128xf32, #tpu.memory_space<vmem_shared>>)
    %dma_wait3A_16 = arith.constant 9840 : i32
    %dma_wait3A_17 = tpu.memref_slice %arg8[%dma_wait3A_16] : memref<10000xi32, #tpu.memory_space<vmem>> -> memref<40xi32, #tpu.memory_space<vmem>>
    %dma_wait3A_18 = arith.constant 0 : i32
    %dma_wait3A_19 = arith.constant 0 : i32
    %dma_wait3A_20 = tpu.memref_slice %arg24[%dma_wait3A_18, %dma_wait3A_19] : memref<10240x128xf32, #tpu.memory_space<vmem_shared>> -> memref<10240x128xf32, #tpu.memory_space<vmem_shared>>
    tpu.wait_indirect_dma semaphore(%arg20 : memref<!tpu.dma_semaphore, #tpu.memory_space<semaphore_mem>>) src(%arg10 : memref<40x128xf32, #tpu.memory_space<vmem>>) dst(%dma_wait3A_20 : memref<10240x128xf32, #tpu.memory_space<vmem_shared>>)
    %dma_wait3A_21 = arith.constant 9880 : i32
    %dma_wait3A_22 = tpu.memref_slice %arg8[%dma_wait3A_21] : memref<10000xi32, #tpu.memory_space<vmem>> -> memref<40xi32, #tpu.memory_space<vmem>>
    %dma_wait3A_23 = arith.constant 0 : i32
    %dma_wait3A_24 = arith.constant 0 : i32
    %dma_wait3A_25 = tpu.memref_slice %arg24[%dma_wait3A_23, %dma_wait3A_24] : memref<10240x128xf32, #tpu.memory_space<vmem_shared>> -> memref<10240x128xf32, #tpu.memory_space<vmem_shared>>
    tpu.wait_indirect_dma semaphore(%arg21 : memref<!tpu.dma_semaphore, #tpu.memory_space<semaphore_mem>>) src(%arg11 : memref<40x128xf32, #tpu.memory_space<vmem>>) dst(%dma_wait3A_25 : memref<10240x128xf32, #tpu.memory_space<vmem_shared>>)
    %dma_wait3A_26 = arith.constant 9920 : i32
    %dma_wait3A_27 = tpu.memref_slice %arg8[%dma_wait3A_26] : memref<10000xi32, #tpu.memory_space<vmem>> -> memref<40xi32, #tpu.memory_space<vmem>>
    %dma_wait3A_28 = arith.constant 0 : i32
    %dma_wait3A_29 = arith.constant 0 : i32
    %dma_wait3A_30 = tpu.memref_slice %arg24[%dma_wait3A_28, %dma_wait3A_29] : memref<10240x128xf32, #tpu.memory_space<vmem_shared>> -> memref<10240x128xf32, #tpu.memory_space<vmem_shared>>
    tpu.wait_indirect_dma semaphore(%arg22 : memref<!tpu.dma_semaphore, #tpu.memory_space<semaphore_mem>>) src(%arg12 : memref<40x128xf32, #tpu.memory_space<vmem>>) dst(%dma_wait3A_30 : memref<10240x128xf32, #tpu.memory_space<vmem_shared>>)
    %dma_wait3A_31 = arith.constant 9960 : i32
    %dma_wait3A_32 = tpu.memref_slice %arg8[%dma_wait3A_31] : memref<10000xi32, #tpu.memory_space<vmem>> -> memref<40xi32, #tpu.memory_space<vmem>>
    %dma_wait3A_33 = arith.constant 0 : i32
    %dma_wait3A_34 = arith.constant 0 : i32
    %dma_wait3A_35 = tpu.memref_slice %arg24[%dma_wait3A_33, %dma_wait3A_34] : memref<10240x128xf32, #tpu.memory_space<vmem_shared>> -> memref<10240x128xf32, #tpu.memory_space<vmem_shared>>
    tpu.wait_indirect_dma semaphore(%arg23 : memref<!tpu.dma_semaphore, #tpu.memory_space<semaphore_mem>>) src(%arg13 : memref<40x128xf32, #tpu.memory_space<vmem>>) dst(%dma_wait3A_35 : memref<10240x128xf32, #tpu.memory_space<vmem_shared>>)
    %barrier3A_36 = arith.constant 0 : index
    tpu.barrier barrier_id(%barrier3A_36)
    %mul3A_37 = arith.constant 640 : i32
    %mul3A_38 = arith.muli %arg1, %mul3A_37 : i32
    %mul3A_39 = arith.constant 10240 : i32
    %mul3A_40 = arith.muli %arg0, %mul3A_39 : i32
    %mul3A_41 = arith.constant 640 : i32
    %mul3A_42 = arith.muli %arg1, %mul3A_41 : i32
    %add3A_43 = arith.addi %mul3A_40, %mul3A_42 : i32
    "tpu.region"() ({
      %run_scoped3A = tpu.sem_alloc : memref<!tpu.dma_semaphore, #tpu.memory_space<semaphore_mem>>
      %dma_start3A = arith.constant 0 : i32
      %dma_start3A_44 = tpu.memref_slice %arg6[%add3A_43, %dma_start3A] : memref<20480x128xf32, #tpu.memory_space<hbm>> -> memref<640x128xf32, #tpu.memory_space<hbm>>
      %dma_start3A_45 = arith.constant 0 : i32
      %dma_start3A_46 = tpu.memref_slice %arg24[%mul3A_38, %dma_start3A_45] : memref<10240x128xf32, #tpu.memory_space<vmem_shared>> -> memref<640x128xf32, #tpu.memory_space<vmem_shared>>
      tpu.enqueue_dma source(%dma_start3A_46 : memref<640x128xf32, #tpu.memory_space<vmem_shared>>) target(%dma_start3A_44 : memref<640x128xf32, #tpu.memory_space<hbm>>) target_semaphore(%run_scoped3A : memref<!tpu.dma_semaphore, #tpu.memory_space<semaphore_mem>>)
      %dma_wait3A_47 = arith.constant 0 : i32
      %dma_wait3A_48 = tpu.memref_slice %arg6[%add3A_43, %dma_wait3A_47] : memref<20480x128xf32, #tpu.memory_space<hbm>> -> memref<640x128xf32, #tpu.memory_space<hbm>>
      %dma_wait3A_49 = arith.constant 0 : i32
      %dma_wait3A_50 = tpu.memref_slice %arg24[%mul3A_38, %dma_wait3A_49] : memref<10240x128xf32, #tpu.memory_space<vmem_shared>> -> memref<640x128xf32, #tpu.memory_space<vmem_shared>>
      tpu.wait_dma2 semaphore(%run_scoped3A : memref<!tpu.dma_semaphore, #tpu.memory_space<semaphore_mem>>) src(%dma_wait3A_50 : memref<640x128xf32, #tpu.memory_space<vmem_shared>>) dst(%dma_wait3A_48 : memref<640x128xf32, #tpu.memory_space<hbm>>)
      tpu.yield
    }) : () -> ()
    return
  }
}

#map = affine_map<(d0, d1) -> (0, 0)>
#map1 = affine_map<(d0, d1) -> (0)>
module attributes {stable_mosaic.version = 14 : i64} {
  func.func @_sc_gather_scatter_body(%arg0: i32, %arg1: i32, %arg2: memref<10000x128xf32, #tpu.memory_space<hbm>>, %arg3: memref<320000xi32, #tpu.memory_space<hbm>>, %arg4: memref<320000xi32, #tpu.memory_space<hbm>>, %arg5: memref<10240x128xf32, #tpu.memory_space<hbm>>, %arg6: memref<20480x128xf32, #tpu.memory_space<hbm>>, %arg7: memref<10000xi32, #tpu.memory_space<vmem>>, %arg8: memref<10000xi32, #tpu.memory_space<vmem>>, %arg9: memref<40x128xf32, #tpu.memory_space<vmem>>, %arg10: memref<40x128xf32, #tpu.memory_space<vmem>>, %arg11: memref<40x128xf32, #tpu.memory_space<vmem>>, %arg12: memref<40x128xf32, #tpu.memory_space<vmem>>, %arg13: memref<40x128xf32, #tpu.memory_space<vmem>>, %arg14: memref<!tpu.dma_semaphore, #tpu.memory_space<semaphore_mem>>, %arg15: memref<!tpu.dma_semaphore, #tpu.memory_space<semaphore_mem>>, %arg16: memref<!tpu.dma_semaphore, #tpu.memory_space<semaphore_mem>>, %arg17: memref<!tpu.dma_semaphore, #tpu.memory_space<semaphore_mem>>, %arg18: memref<!tpu.dma_semaphore, #tpu.memory_space<semaphore_mem>>, %arg19: memref<!tpu.dma_semaphore, #tpu.memory_space<semaphore_mem>>, %arg20: memref<!tpu.dma_semaphore, #tpu.memory_space<semaphore_mem>>, %arg21: memref<!tpu.dma_semaphore, #tpu.memory_space<semaphore_mem>>, %arg22: memref<!tpu.dma_semaphore, #tpu.memory_space<semaphore_mem>>, %arg23: memref<!tpu.dma_semaphore, #tpu.memory_space<semaphore_mem>>, %arg24: memref<10240x128xf32, #tpu.memory_space<vmem_shared>>) attributes {dimension_semantics = [#tpu.dimension_semantics<core_parallel>, #tpu.dimension_semantics<subcore_parallel>], iteration_bounds = array<i64: 2, 16>, scalar_prefetch = 0 : i64, scratch_operands = 18 : i64, tpu.core_type = #tpu.core_type<sc_vector_subcore>, window_params = [{transform_indices = #map}, {transform_indices = #map1}, {transform_indices = #map1}, {transform_indices = #map}, {transform_indices = #map}]} {
    %mul3A = arith.constant 16 : i32
    %mul3A_0 = arith.muli %arg0, %mul3A : i32
    %add3A = arith.addi %mul3A_0, %arg1 : i32
    %mul3A_1 = arith.constant 10000 : i32
    %mul3A_2 = arith.muli %add3A, %mul3A_1 : i32
    "tpu.region"() ({
      %run_scoped3A = tpu.sem_alloc : memref<!tpu.dma_semaphore, #tpu.memory_space<semaphore_mem>>
      %dma_start3A = tpu.memref_slice %arg3[%mul3A_2] : memref<320000xi32, #tpu.memory_space<hbm>> -> memref<10000xi32, #tpu.memory_space<hbm>>
      %dma_start3A_44 = tpu.memref_slice %arg3[%mul3A_2] : memref<320000xi32, #tpu.memory_space<hbm>> -> memref<10000xi32, #tpu.memory_space<hbm>>
      tpu.enqueue_dma source(%dma_start3A_44 : memref<10000xi32, #tpu.memory_space<hbm>>) target(%arg7 : memref<10000xi32, #tpu.memory_space<vmem>>) target_semaphore(%run_scoped3A : memref<!tpu.dma_semaphore, #tpu.memory_space<semaphore_mem>>)
      %dma_wait3A_45 = tpu.memref_slice %arg3[%mul3A_2] : memref<320000xi32, #tpu.memory_space<hbm>> -> memref<10000xi32, #tpu.memory_space<hbm>>
      %dma_wait3A_46 = tpu.memref_slice %arg3[%mul3A_2] : memref<320000xi32, #tpu.memory_space<hbm>> -> memref<10000xi32, #tpu.memory_space<hbm>>
      tpu.wait_dma2 semaphore(%run_scoped3A : memref<!tpu.dma_semaphore, #tpu.memory_space<semaphore_mem>>) src(%dma_wait3A_46 : memref<10000xi32, #tpu.memory_space<hbm>>) dst(%arg7 : memref<10000xi32, #tpu.memory_space<vmem>>)
      tpu.yield
    }) : () -> ()
    "tpu.region"() ({
      %run_scoped3A = tpu.sem_alloc : memref<!tpu.dma_semaphore, #tpu.memory_space<semaphore_mem>>
      %dma_start3A = tpu.memref_slice %arg4[%mul3A_2] : memref<320000xi32, #tpu.memory_space<hbm>> -> memref<10000xi32, #tpu.memory_space<hbm>>
      %dma_start3A_44 = tpu.memref_slice %arg4[%mul3A_2] : memref<320000xi32, #tpu.memory_space<hbm>> -> memref<10000xi32, #tpu.memory_space<hbm>>
      tpu.enqueue_dma source(%dma_start3A_44 : memref<10000xi32, #tpu.memory_space<hbm>>) target(%arg8 : memref<10000xi32, #tpu.memory_space<vmem>>) target_semaphore(%run_scoped3A : memref<!tpu.dma_semaphore, #tpu.memory_space<semaphore_mem>>)
      %dma_wait3A_45 = tpu.memref_slice %arg4[%mul3A_2] : memref<320000xi32, #tpu.memory_space<hbm>> -> memref<10000xi32, #tpu.memory_space<hbm>>
      %dma_wait3A_46 = tpu.memref_slice %arg4[%mul3A_2] : memref<320000xi32, #tpu.memory_space<hbm>> -> memref<10000xi32, #tpu.memory_space<hbm>>
      tpu.wait_dma2 semaphore(%run_scoped3A : memref<!tpu.dma_semaphore, #tpu.memory_space<semaphore_mem>>) src(%dma_wait3A_46 : memref<10000xi32, #tpu.memory_space<hbm>>) dst(%arg8 : memref<10000xi32, #tpu.memory_space<vmem>>)
      tpu.yield
    }) : () -> ()
    %mul3A_3 = arith.constant 640 : i32
    %mul3A_4 = arith.muli %arg1, %mul3A_3 : i32
    %mul3A_5 = arith.constant 640 : i32
    %mul3A_6 = arith.muli %arg1, %mul3A_5 : i32
    "tpu.region"() ({
      %run_scoped3A = tpu.sem_alloc : memref<!tpu.dma_semaphore, #tpu.memory_space<semaphore_mem>>
      %dma_start3A = arith.constant 0 : i32
      %dma_start3A_44 = tpu.memref_slice %arg24[%mul3A_6, %dma_start3A] : memref<10240x128xf32, #tpu.memory_space<vmem_shared>> -> memref<640x128xf32, #tpu.memory_space<vmem_shared>>
      %dma_start3A_45 = arith.constant 0 : i32
      %dma_start3A_46 = tpu.memref_slice %arg5[%mul3A_4, %dma_start3A_45] : memref<10240x128xf32, #tpu.memory_space<hbm>> -> memref<640x128xf32, #tpu.memory_space<hbm>>
      tpu.enqueue_dma source(%dma_start3A_46 : memref<640x128xf32, #tpu.memory_space<hbm>>) target(%dma_start3A_44 : memref<640x128xf32, #tpu.memory_space<vmem_shared>>) target_semaphore(%run_scoped3A : memref<!tpu.dma_semaphore, #tpu.memory_space<semaphore_mem>>)
      %dma_wait3A_47 = arith.constant 0 : i32
      %dma_wait3A_48 = tpu.memref_slice %arg24[%mul3A_6, %dma_wait3A_47] : memref<10240x128xf32, #tpu.memory_space<vmem_shared>> -> memref<640x128xf32, #tpu.memory_space<vmem_shared>>
      %dma_wait3A_49 = arith.constant 0 : i32
      %dma_wait3A_50 = tpu.memref_slice %arg5[%mul3A_4, %dma_wait3A_49] : memref<10240x128xf32, #tpu.memory_space<hbm>> -> memref<640x128xf32, #tpu.memory_space<hbm>>
      tpu.wait_dma2 semaphore(%run_scoped3A : memref<!tpu.dma_semaphore, #tpu.memory_space<semaphore_mem>>) src(%dma_wait3A_50 : memref<640x128xf32, #tpu.memory_space<hbm>>) dst(%dma_wait3A_48 : memref<640x128xf32, #tpu.memory_space<vmem_shared>>)
      tpu.yield
    }) : () -> ()
    %barrier3A = arith.constant 0 : index
    tpu.barrier barrier_id(%barrier3A)
    %scan3A = arith.constant 0 : i32
    %scan3A_7 = arith.constant 0 : i32
    %scan3A_8 = arith.constant 50 : i32
    %scan3A_9 = arith.addi %scan3A_7, %scan3A_8 : i32
    %scan3A_10 = arith.constant 1 : i32
    scf.for %scan3A_44 = %scan3A_7 to %scan3A_9 step %scan3A_10  : i32 {
      %gt3A = arith.constant 0 : i32
      %gt3A_45 = arith.cmpi sgt, %scan3A_44, %gt3A : i32
      %convert_element_type3A = arith.extui %gt3A_45 : i1 to i32
      %cond3A = arith.constant 0 : i32
      %cond3A_46 = arith.cmpi ne, %convert_element_type3A, %cond3A : i32
      scf.if %cond3A_46 {
        %mul3A_186 = arith.constant 5 : i32
        %mul3A_187 = arith.muli %scan3A_44, %mul3A_186 : i32
        %add3A_188 = arith.constant 0 : i32
        %add3A_189 = arith.addi %mul3A_187, %add3A_188 : i32
        %sub3A = arith.constant 5 : i32
        %sub3A_190 = arith.subi %add3A_189, %sub3A : i32
        %mul3A_191 = arith.constant 40 : i32
        %mul3A_192 = arith.muli %sub3A_190, %mul3A_191 : i32
        %dma_wait3A_193 = tpu.memref_slice %arg8[%mul3A_192] : memref<10000xi32, #tpu.memory_space<vmem>> -> memref<40xi32, #tpu.memory_space<vmem>>
        %dma_wait3A_194 = arith.constant 0 : i32
        %dma_wait3A_195 = arith.constant 0 : i32
        %dma_wait3A_196 = tpu.memref_slice %arg24[%dma_wait3A_194, %dma_wait3A_195] : memref<10240x128xf32, #tpu.memory_space<vmem_shared>> -> memref<10240x128xf32, #tpu.memory_space<vmem_shared>>
        tpu.wait_indirect_dma semaphore(%arg19 : memref<!tpu.dma_semaphore, #tpu.memory_space<semaphore_mem>>) src(%arg9 : memref<40x128xf32, #tpu.memory_space<vmem>>) dst(%dma_wait3A_196 : memref<10240x128xf32, #tpu.memory_space<vmem_shared>>)
      } else {
      }
      %mul3A_47 = arith.constant 5 : i32
      %mul3A_48 = arith.muli %scan3A_44, %mul3A_47 : i32
      %add3A_49 = arith.constant 0 : i32
      %add3A_50 = arith.addi %mul3A_48, %add3A_49 : i32
      %mul3A_51 = arith.constant 40 : i32
      %mul3A_52 = arith.muli %add3A_50, %mul3A_51 : i32
      %dma_start3A = tpu.memref_slice %arg7[%mul3A_52] : memref<10000xi32, #tpu.memory_space<vmem>> -> memref<40xi32, #tpu.memory_space<vmem>>
      %dma_start3A_53 = arith.constant 0 : i32
      %dma_start3A_54 = arith.constant 0 : i32
      %dma_start3A_55 = tpu.memref_slice %arg2[%dma_start3A_53, %dma_start3A_54] : memref<10000x128xf32, #tpu.memory_space<hbm>> -> memref<10000x128xf32, #tpu.memory_space<hbm>>
      tpu.enqueue_indirect_dma source(%dma_start3A_55 : memref<10000x128xf32, #tpu.memory_space<hbm>>) target(%arg9 : memref<40x128xf32, #tpu.memory_space<vmem>>) offsets(%dma_start3A : memref<40xi32, #tpu.memory_space<vmem>>) semaphore(%arg14 : memref<!tpu.dma_semaphore, #tpu.memory_space<semaphore_mem>>)
      %gt3A_56 = arith.constant 0 : i32
      %gt3A_57 = arith.cmpi sgt, %scan3A_44, %gt3A_56 : i32
      %convert_element_type3A_58 = arith.extui %gt3A_57 : i1 to i32
      %cond3A_59 = arith.constant 0 : i32
      %cond3A_60 = arith.cmpi ne, %convert_element_type3A_58, %cond3A_59 : i32
      scf.if %cond3A_60 {
        %mul3A_186 = arith.constant 5 : i32
        %mul3A_187 = arith.muli %scan3A_44, %mul3A_186 : i32
        %add3A_188 = arith.constant 1 : i32
        %add3A_189 = arith.addi %mul3A_187, %add3A_188 : i32
        %sub3A = arith.constant 5 : i32
        %sub3A_190 = arith.subi %add3A_189, %sub3A : i32
        %mul3A_191 = arith.constant 40 : i32
        %mul3A_192 = arith.muli %sub3A_190, %mul3A_191 : i32
        %dma_wait3A_193 = tpu.memref_slice %arg8[%mul3A_192] : memref<10000xi32, #tpu.memory_space<vmem>> -> memref<40xi32, #tpu.memory_space<vmem>>
        %dma_wait3A_194 = arith.constant 0 : i32
        %dma_wait3A_195 = arith.constant 0 : i32
        %dma_wait3A_196 = tpu.memref_slice %arg24[%dma_wait3A_194, %dma_wait3A_195] : memref<10240x128xf32, #tpu.memory_space<vmem_shared>> -> memref<10240x128xf32, #tpu.memory_space<vmem_shared>>
        tpu.wait_indirect_dma semaphore(%arg20 : memref<!tpu.dma_semaphore, #tpu.memory_space<semaphore_mem>>) src(%arg10 : memref<40x128xf32, #tpu.memory_space<vmem>>) dst(%dma_wait3A_196 : memref<10240x128xf32, #tpu.memory_space<vmem_shared>>)
      } else {
      }
      %mul3A_61 = arith.constant 5 : i32
      %mul3A_62 = arith.muli %scan3A_44, %mul3A_61 : i32
      %add3A_63 = arith.constant 1 : i32
      %add3A_64 = arith.addi %mul3A_62, %add3A_63 : i32
      %mul3A_65 = arith.constant 40 : i32
      %mul3A_66 = arith.muli %add3A_64, %mul3A_65 : i32
      %dma_start3A_67 = tpu.memref_slice %arg7[%mul3A_66] : memref<10000xi32, #tpu.memory_space<vmem>> -> memref<40xi32, #tpu.memory_space<vmem>>
      %dma_start3A_68 = arith.constant 0 : i32
      %dma_start3A_69 = arith.constant 0 : i32
      %dma_start3A_70 = tpu.memref_slice %arg2[%dma_start3A_68, %dma_start3A_69] : memref<10000x128xf32, #tpu.memory_space<hbm>> -> memref<10000x128xf32, #tpu.memory_space<hbm>>
      tpu.enqueue_indirect_dma source(%dma_start3A_70 : memref<10000x128xf32, #tpu.memory_space<hbm>>) target(%arg10 : memref<40x128xf32, #tpu.memory_space<vmem>>) offsets(%dma_start3A_67 : memref<40xi32, #tpu.memory_space<vmem>>) semaphore(%arg15 : memref<!tpu.dma_semaphore, #tpu.memory_space<semaphore_mem>>)
      %gt3A_71 = arith.constant 0 : i32
      %gt3A_72 = arith.cmpi sgt, %scan3A_44, %gt3A_71 : i32
      %convert_element_type3A_73 = arith.extui %gt3A_72 : i1 to i32
      %cond3A_74 = arith.constant 0 : i32
      %cond3A_75 = arith.cmpi ne, %convert_element_type3A_73, %cond3A_74 : i32
      scf.if %cond3A_75 {
        %mul3A_186 = arith.constant 5 : i32
        %mul3A_187 = arith.muli %scan3A_44, %mul3A_186 : i32
        %add3A_188 = arith.constant 2 : i32
        %add3A_189 = arith.addi %mul3A_187, %add3A_188 : i32
        %sub3A = arith.constant 5 : i32
        %sub3A_190 = arith.subi %add3A_189, %sub3A : i32
        %mul3A_191 = arith.constant 40 : i32
        %mul3A_192 = arith.muli %sub3A_190, %mul3A_191 : i32
        %dma_wait3A_193 = tpu.memref_slice %arg8[%mul3A_192] : memref<10000xi32, #tpu.memory_space<vmem>> -> memref<40xi32, #tpu.memory_space<vmem>>
        %dma_wait3A_194 = arith.constant 0 : i32
        %dma_wait3A_195 = arith.constant 0 : i32
        %dma_wait3A_196 = tpu.memref_slice %arg24[%dma_wait3A_194, %dma_wait3A_195] : memref<10240x128xf32, #tpu.memory_space<vmem_shared>> -> memref<10240x128xf32, #tpu.memory_space<vmem_shared>>
        tpu.wait_indirect_dma semaphore(%arg21 : memref<!tpu.dma_semaphore, #tpu.memory_space<semaphore_mem>>) src(%arg11 : memref<40x128xf32, #tpu.memory_space<vmem>>) dst(%dma_wait3A_196 : memref<10240x128xf32, #tpu.memory_space<vmem_shared>>)
      } else {
      }
      %mul3A_76 = arith.constant 5 : i32
      %mul3A_77 = arith.muli %scan3A_44, %mul3A_76 : i32
      %add3A_78 = arith.constant 2 : i32
      %add3A_79 = arith.addi %mul3A_77, %add3A_78 : i32
      %mul3A_80 = arith.constant 40 : i32
      %mul3A_81 = arith.muli %add3A_79, %mul3A_80 : i32
      %dma_start3A_82 = tpu.memref_slice %arg7[%mul3A_81] : memref<10000xi32, #tpu.memory_space<vmem>> -> memref<40xi32, #tpu.memory_space<vmem>>
      %dma_start3A_83 = arith.constant 0 : i32
      %dma_start3A_84 = arith.constant 0 : i32
      %dma_start3A_85 = tpu.memref_slice %arg2[%dma_start3A_83, %dma_start3A_84] : memref<10000x128xf32, #tpu.memory_space<hbm>> -> memref<10000x128xf32, #tpu.memory_space<hbm>>
      tpu.enqueue_indirect_dma source(%dma_start3A_85 : memref<10000x128xf32, #tpu.memory_space<hbm>>) target(%arg11 : memref<40x128xf32, #tpu.memory_space<vmem>>) offsets(%dma_start3A_82 : memref<40xi32, #tpu.memory_space<vmem>>) semaphore(%arg16 : memref<!tpu.dma_semaphore, #tpu.memory_space<semaphore_mem>>)
      %gt3A_86 = arith.constant 0 : i32
      %gt3A_87 = arith.cmpi sgt, %scan3A_44, %gt3A_86 : i32
      %convert_element_type3A_88 = arith.extui %gt3A_87 : i1 to i32
      %cond3A_89 = arith.constant 0 : i32
      %cond3A_90 = arith.cmpi ne, %convert_element_type3A_88, %cond3A_89 : i32
      scf.if %cond3A_90 {
        %mul3A_186 = arith.constant 5 : i32
        %mul3A_187 = arith.muli %scan3A_44, %mul3A_186 : i32
        %add3A_188 = arith.constant 3 : i32
        %add3A_189 = arith.addi %mul3A_187, %add3A_188 : i32
        %sub3A = arith.constant 5 : i32
        %sub3A_190 = arith.subi %add3A_189, %sub3A : i32
        %mul3A_191 = arith.constant 40 : i32
        %mul3A_192 = arith.muli %sub3A_190, %mul3A_191 : i32
        %dma_wait3A_193 = tpu.memref_slice %arg8[%mul3A_192] : memref<10000xi32, #tpu.memory_space<vmem>> -> memref<40xi32, #tpu.memory_space<vmem>>
        %dma_wait3A_194 = arith.constant 0 : i32
        %dma_wait3A_195 = arith.constant 0 : i32
        %dma_wait3A_196 = tpu.memref_slice %arg24[%dma_wait3A_194, %dma_wait3A_195] : memref<10240x128xf32, #tpu.memory_space<vmem_shared>> -> memref<10240x128xf32, #tpu.memory_space<vmem_shared>>
        tpu.wait_indirect_dma semaphore(%arg22 : memref<!tpu.dma_semaphore, #tpu.memory_space<semaphore_mem>>) src(%arg12 : memref<40x128xf32, #tpu.memory_space<vmem>>) dst(%dma_wait3A_196 : memref<10240x128xf32, #tpu.memory_space<vmem_shared>>)
      } else {
      }
      %mul3A_91 = arith.constant 5 : i32
      %mul3A_92 = arith.muli %scan3A_44, %mul3A_91 : i32
      %add3A_93 = arith.constant 3 : i32
      %add3A_94 = arith.addi %mul3A_92, %add3A_93 : i32
      %mul3A_95 = arith.constant 40 : i32
      %mul3A_96 = arith.muli %add3A_94, %mul3A_95 : i32
      %dma_start3A_97 = tpu.memref_slice %arg7[%mul3A_96] : memref<10000xi32, #tpu.memory_space<vmem>> -> memref<40xi32, #tpu.memory_space<vmem>>
      %dma_start3A_98 = arith.constant 0 : i32
      %dma_start3A_99 = arith.constant 0 : i32
      %dma_start3A_100 = tpu.memref_slice %arg2[%dma_start3A_98, %dma_start3A_99] : memref<10000x128xf32, #tpu.memory_space<hbm>> -> memref<10000x128xf32, #tpu.memory_space<hbm>>
      tpu.enqueue_indirect_dma source(%dma_start3A_100 : memref<10000x128xf32, #tpu.memory_space<hbm>>) target(%arg12 : memref<40x128xf32, #tpu.memory_space<vmem>>) offsets(%dma_start3A_97 : memref<40xi32, #tpu.memory_space<vmem>>) semaphore(%arg17 : memref<!tpu.dma_semaphore, #tpu.memory_space<semaphore_mem>>)
      %gt3A_101 = arith.constant 0 : i32
      %gt3A_102 = arith.cmpi sgt, %scan3A_44, %gt3A_101 : i32
      %convert_element_type3A_103 = arith.extui %gt3A_102 : i1 to i32
      %cond3A_104 = arith.constant 0 : i32
      %cond3A_105 = arith.cmpi ne, %convert_element_type3A_103, %cond3A_104 : i32
      scf.if %cond3A_105 {
        %mul3A_186 = arith.constant 5 : i32
        %mul3A_187 = arith.muli %scan3A_44, %mul3A_186 : i32
        %add3A_188 = arith.constant 4 : i32
        %add3A_189 = arith.addi %mul3A_187, %add3A_188 : i32
        %sub3A = arith.constant 5 : i32
        %sub3A_190 = arith.subi %add3A_189, %sub3A : i32
        %mul3A_191 = arith.constant 40 : i32
        %mul3A_192 = arith.muli %sub3A_190, %mul3A_191 : i32
        %dma_wait3A_193 = tpu.memref_slice %arg8[%mul3A_192] : memref<10000xi32, #tpu.memory_space<vmem>> -> memref<40xi32, #tpu.memory_space<vmem>>
        %dma_wait3A_194 = arith.constant 0 : i32
        %dma_wait3A_195 = arith.constant 0 : i32
        %dma_wait3A_196 = tpu.memref_slice %arg24[%dma_wait3A_194, %dma_wait3A_195] : memref<10240x128xf32, #tpu.memory_space<vmem_shared>> -> memref<10240x128xf32, #tpu.memory_space<vmem_shared>>
        tpu.wait_indirect_dma semaphore(%arg23 : memref<!tpu.dma_semaphore, #tpu.memory_space<semaphore_mem>>) src(%arg13 : memref<40x128xf32, #tpu.memory_space<vmem>>) dst(%dma_wait3A_196 : memref<10240x128xf32, #tpu.memory_space<vmem_shared>>)
      } else {
      }
      %mul3A_106 = arith.constant 5 : i32
      %mul3A_107 = arith.muli %scan3A_44, %mul3A_106 : i32
      %add3A_108 = arith.constant 4 : i32
      %add3A_109 = arith.addi %mul3A_107, %add3A_108 : i32
      %mul3A_110 = arith.constant 40 : i32
      %mul3A_111 = arith.muli %add3A_109, %mul3A_110 : i32
      %dma_start3A_112 = tpu.memref_slice %arg7[%mul3A_111] : memref<10000xi32, #tpu.memory_space<vmem>> -> memref<40xi32, #tpu.memory_space<vmem>>
      %dma_start3A_113 = arith.constant 0 : i32
      %dma_start3A_114 = arith.constant 0 : i32
      %dma_start3A_115 = tpu.memref_slice %arg2[%dma_start3A_113, %dma_start3A_114] : memref<10000x128xf32, #tpu.memory_space<hbm>> -> memref<10000x128xf32, #tpu.memory_space<hbm>>
      tpu.enqueue_indirect_dma source(%dma_start3A_115 : memref<10000x128xf32, #tpu.memory_space<hbm>>) target(%arg13 : memref<40x128xf32, #tpu.memory_space<vmem>>) offsets(%dma_start3A_112 : memref<40xi32, #tpu.memory_space<vmem>>) semaphore(%arg18 : memref<!tpu.dma_semaphore, #tpu.memory_space<semaphore_mem>>)
      %dma_wait3A_116 = tpu.memref_slice %arg7[%mul3A_52] : memref<10000xi32, #tpu.memory_space<vmem>> -> memref<40xi32, #tpu.memory_space<vmem>>
      %dma_wait3A_117 = arith.constant 0 : i32
      %dma_wait3A_118 = arith.constant 0 : i32
      %dma_wait3A_119 = tpu.memref_slice %arg2[%dma_wait3A_117, %dma_wait3A_118] : memref<10000x128xf32, #tpu.memory_space<hbm>> -> memref<10000x128xf32, #tpu.memory_space<hbm>>
      tpu.wait_indirect_dma semaphore(%arg14 : memref<!tpu.dma_semaphore, #tpu.memory_space<semaphore_mem>>) src(%dma_wait3A_119 : memref<10000x128xf32, #tpu.memory_space<hbm>>) dst(%arg9 : memref<40x128xf32, #tpu.memory_space<vmem>>)
      %mul3A_120 = arith.constant 5 : i32
      %mul3A_121 = arith.muli %scan3A_44, %mul3A_120 : i32
      %add3A_122 = arith.constant 0 : i32
      %add3A_123 = arith.addi %mul3A_121, %add3A_122 : i32
      %mul3A_124 = arith.constant 40 : i32
      %mul3A_125 = arith.muli %add3A_123, %mul3A_124 : i32
      %dma_start3A_126 = tpu.memref_slice %arg8[%mul3A_125] : memref<10000xi32, #tpu.memory_space<vmem>> -> memref<40xi32, #tpu.memory_space<vmem>>
      %dma_start3A_127 = arith.constant 0 : i32
      %dma_start3A_128 = arith.constant 0 : i32
      %dma_start3A_129 = tpu.memref_slice %arg24[%dma_start3A_127, %dma_start3A_128] : memref<10240x128xf32, #tpu.memory_space<vmem_shared>> -> memref<10240x128xf32, #tpu.memory_space<vmem_shared>>
      tpu.enqueue_indirect_dma source(%arg9 : memref<40x128xf32, #tpu.memory_space<vmem>>) target(%dma_start3A_129 : memref<10240x128xf32, #tpu.memory_space<vmem_shared>>) offsets(%dma_start3A_126 : memref<40xi32, #tpu.memory_space<vmem>>) semaphore(%arg19 : memref<!tpu.dma_semaphore, #tpu.memory_space<semaphore_mem>>) {add = true}
      %dma_wait3A_130 = tpu.memref_slice %arg7[%mul3A_66] : memref<10000xi32, #tpu.memory_space<vmem>> -> memref<40xi32, #tpu.memory_space<vmem>>
      %dma_wait3A_131 = arith.constant 0 : i32
      %dma_wait3A_132 = arith.constant 0 : i32
      %dma_wait3A_133 = tpu.memref_slice %arg2[%dma_wait3A_131, %dma_wait3A_132] : memref<10000x128xf32, #tpu.memory_space<hbm>> -> memref<10000x128xf32, #tpu.memory_space<hbm>>
      tpu.wait_indirect_dma semaphore(%arg15 : memref<!tpu.dma_semaphore, #tpu.memory_space<semaphore_mem>>) src(%dma_wait3A_133 : memref<10000x128xf32, #tpu.memory_space<hbm>>) dst(%arg10 : memref<40x128xf32, #tpu.memory_space<vmem>>)
      %mul3A_134 = arith.constant 5 : i32
      %mul3A_135 = arith.muli %scan3A_44, %mul3A_134 : i32
      %add3A_136 = arith.constant 1 : i32
      %add3A_137 = arith.addi %mul3A_135, %add3A_136 : i32
      %mul3A_138 = arith.constant 40 : i32
      %mul3A_139 = arith.muli %add3A_137, %mul3A_138 : i32
      %dma_start3A_140 = tpu.memref_slice %arg8[%mul3A_139] : memref<10000xi32, #tpu.memory_space<vmem>> -> memref<40xi32, #tpu.memory_space<vmem>>
      %dma_start3A_141 = arith.constant 0 : i32
      %dma_start3A_142 = arith.constant 0 : i32
      %dma_start3A_143 = tpu.memref_slice %arg24[%dma_start3A_141, %dma_start3A_142] : memref<10240x128xf32, #tpu.memory_space<vmem_shared>> -> memref<10240x128xf32, #tpu.memory_space<vmem_shared>>
      tpu.enqueue_indirect_dma source(%arg10 : memref<40x128xf32, #tpu.memory_space<vmem>>) target(%dma_start3A_143 : memref<10240x128xf32, #tpu.memory_space<vmem_shared>>) offsets(%dma_start3A_140 : memref<40xi32, #tpu.memory_space<vmem>>) semaphore(%arg20 : memref<!tpu.dma_semaphore, #tpu.memory_space<semaphore_mem>>) {add = true}
      %dma_wait3A_144 = tpu.memref_slice %arg7[%mul3A_81] : memref<10000xi32, #tpu.memory_space<vmem>> -> memref<40xi32, #tpu.memory_space<vmem>>
      %dma_wait3A_145 = arith.constant 0 : i32
      %dma_wait3A_146 = arith.constant 0 : i32
      %dma_wait3A_147 = tpu.memref_slice %arg2[%dma_wait3A_145, %dma_wait3A_146] : memref<10000x128xf32, #tpu.memory_space<hbm>> -> memref<10000x128xf32, #tpu.memory_space<hbm>>
      tpu.wait_indirect_dma semaphore(%arg16 : memref<!tpu.dma_semaphore, #tpu.memory_space<semaphore_mem>>) src(%dma_wait3A_147 : memref<10000x128xf32, #tpu.memory_space<hbm>>) dst(%arg11 : memref<40x128xf32, #tpu.memory_space<vmem>>)
      %mul3A_148 = arith.constant 5 : i32
      %mul3A_149 = arith.muli %scan3A_44, %mul3A_148 : i32
      %add3A_150 = arith.constant 2 : i32
      %add3A_151 = arith.addi %mul3A_149, %add3A_150 : i32
      %mul3A_152 = arith.constant 40 : i32
      %mul3A_153 = arith.muli %add3A_151, %mul3A_152 : i32
      %dma_start3A_154 = tpu.memref_slice %arg8[%mul3A_153] : memref<10000xi32, #tpu.memory_space<vmem>> -> memref<40xi32, #tpu.memory_space<vmem>>
      %dma_start3A_155 = arith.constant 0 : i32
      %dma_start3A_156 = arith.constant 0 : i32
      %dma_start3A_157 = tpu.memref_slice %arg24[%dma_start3A_155, %dma_start3A_156] : memref<10240x128xf32, #tpu.memory_space<vmem_shared>> -> memref<10240x128xf32, #tpu.memory_space<vmem_shared>>
      tpu.enqueue_indirect_dma source(%arg11 : memref<40x128xf32, #tpu.memory_space<vmem>>) target(%dma_start3A_157 : memref<10240x128xf32, #tpu.memory_space<vmem_shared>>) offsets(%dma_start3A_154 : memref<40xi32, #tpu.memory_space<vmem>>) semaphore(%arg21 : memref<!tpu.dma_semaphore, #tpu.memory_space<semaphore_mem>>) {add = true}
      %dma_wait3A_158 = tpu.memref_slice %arg7[%mul3A_96] : memref<10000xi32, #tpu.memory_space<vmem>> -> memref<40xi32, #tpu.memory_space<vmem>>
      %dma_wait3A_159 = arith.constant 0 : i32
      %dma_wait3A_160 = arith.constant 0 : i32
      %dma_wait3A_161 = tpu.memref_slice %arg2[%dma_wait3A_159, %dma_wait3A_160] : memref<10000x128xf32, #tpu.memory_space<hbm>> -> memref<10000x128xf32, #tpu.memory_space<hbm>>
      tpu.wait_indirect_dma semaphore(%arg17 : memref<!tpu.dma_semaphore, #tpu.memory_space<semaphore_mem>>) src(%dma_wait3A_161 : memref<10000x128xf32, #tpu.memory_space<hbm>>) dst(%arg12 : memref<40x128xf32, #tpu.memory_space<vmem>>)
      %mul3A_162 = arith.constant 5 : i32
      %mul3A_163 = arith.muli %scan3A_44, %mul3A_162 : i32
      %add3A_164 = arith.constant 3 : i32
      %add3A_165 = arith.addi %mul3A_163, %add3A_164 : i32
      %mul3A_166 = arith.constant 40 : i32
      %mul3A_167 = arith.muli %add3A_165, %mul3A_166 : i32
      %dma_start3A_168 = tpu.memref_slice %arg8[%mul3A_167] : memref<10000xi32, #tpu.memory_space<vmem>> -> memref<40xi32, #tpu.memory_space<vmem>>
      %dma_start3A_169 = arith.constant 0 : i32
      %dma_start3A_170 = arith.constant 0 : i32
      %dma_start3A_171 = tpu.memref_slice %arg24[%dma_start3A_169, %dma_start3A_170] : memref<10240x128xf32, #tpu.memory_space<vmem_shared>> -> memref<10240x128xf32, #tpu.memory_space<vmem_shared>>
      tpu.enqueue_indirect_dma source(%arg12 : memref<40x128xf32, #tpu.memory_space<vmem>>) target(%dma_start3A_171 : memref<10240x128xf32, #tpu.memory_space<vmem_shared>>) offsets(%dma_start3A_168 : memref<40xi32, #tpu.memory_space<vmem>>) semaphore(%arg22 : memref<!tpu.dma_semaphore, #tpu.memory_space<semaphore_mem>>) {add = true}
      %dma_wait3A_172 = tpu.memref_slice %arg7[%mul3A_111] : memref<10000xi32, #tpu.memory_space<vmem>> -> memref<40xi32, #tpu.memory_space<vmem>>
      %dma_wait3A_173 = arith.constant 0 : i32
      %dma_wait3A_174 = arith.constant 0 : i32
      %dma_wait3A_175 = tpu.memref_slice %arg2[%dma_wait3A_173, %dma_wait3A_174] : memref<10000x128xf32, #tpu.memory_space<hbm>> -> memref<10000x128xf32, #tpu.memory_space<hbm>>
      tpu.wait_indirect_dma semaphore(%arg18 : memref<!tpu.dma_semaphore, #tpu.memory_space<semaphore_mem>>) src(%dma_wait3A_175 : memref<10000x128xf32, #tpu.memory_space<hbm>>) dst(%arg13 : memref<40x128xf32, #tpu.memory_space<vmem>>)
      %mul3A_176 = arith.constant 5 : i32
      %mul3A_177 = arith.muli %scan3A_44, %mul3A_176 : i32
      %add3A_178 = arith.constant 4 : i32
      %add3A_179 = arith.addi %mul3A_177, %add3A_178 : i32
      %mul3A_180 = arith.constant 40 : i32
      %mul3A_181 = arith.muli %add3A_179, %mul3A_180 : i32
      %dma_start3A_182 = tpu.memref_slice %arg8[%mul3A_181] : memref<10000xi32, #tpu.memory_space<vmem>> -> memref<40xi32, #tpu.memory_space<vmem>>
      %dma_start3A_183 = arith.constant 0 : i32
      %dma_start3A_184 = arith.constant 0 : i32
      %dma_start3A_185 = tpu.memref_slice %arg24[%dma_start3A_183, %dma_start3A_184] : memref<10240x128xf32, #tpu.memory_space<vmem_shared>> -> memref<10240x128xf32, #tpu.memory_space<vmem_shared>>
      tpu.enqueue_indirect_dma source(%arg13 : memref<40x128xf32, #tpu.memory_space<vmem>>) target(%dma_start3A_185 : memref<10240x128xf32, #tpu.memory_space<vmem_shared>>) offsets(%dma_start3A_182 : memref<40xi32, #tpu.memory_space<vmem>>) semaphore(%arg23 : memref<!tpu.dma_semaphore, #tpu.memory_space<semaphore_mem>>) {add = true}
    }
    %scan3A_11 = arith.constant 50 : i32
    %dma_wait3A = arith.constant 9800 : i32
    %dma_wait3A_12 = tpu.memref_slice %arg8[%dma_wait3A] : memref<10000xi32, #tpu.memory_space<vmem>> -> memref<40xi32, #tpu.memory_space<vmem>>
    %dma_wait3A_13 = arith.constant 0 : i32
    %dma_wait3A_14 = arith.constant 0 : i32
    %dma_wait3A_15 = tpu.memref_slice %arg24[%dma_wait3A_13, %dma_wait3A_14] : memref<10240x128xf32, #tpu.memory_space<vmem_shared>> -> memref<10240x128xf32, #tpu.memory_space<vmem_shared>>
    tpu.wait_indirect_dma semaphore(%arg19 : memref<!tpu.dma_semaphore, #tpu.memory_space<semaphore_mem>>) src(%arg9 : memref<40x128xf32, #tpu.memory_space<vmem>>) dst(%dma_wait3A_15 : memref<10240x128xf32, #tpu.memory_space<vmem_shared>>)
    %dma_wait3A_16 = arith.constant 9840 : i32
    %dma_wait3A_17 = tpu.memref_slice %arg8[%dma_wait3A_16] : memref<10000xi32, #tpu.memory_space<vmem>> -> memref<40xi32, #tpu.memory_space<vmem>>
    %dma_wait3A_18 = arith.constant 0 : i32
    %dma_wait3A_19 = arith.constant 0 : i32
    %dma_wait3A_20 = tpu.memref_slice %arg24[%dma_wait3A_18, %dma_wait3A_19] : memref<10240x128xf32, #tpu.memory_space<vmem_shared>> -> memref<10240x128xf32, #tpu.memory_space<vmem_shared>>
    tpu.wait_indirect_dma semaphore(%arg20 : memref<!tpu.dma_semaphore, #tpu.memory_space<semaphore_mem>>) src(%arg10 : memref<40x128xf32, #tpu.memory_space<vmem>>) dst(%dma_wait3A_20 : memref<10240x128xf32, #tpu.memory_space<vmem_shared>>)
    %dma_wait3A_21 = arith.constant 9880 : i32
    %dma_wait3A_22 = tpu.memref_slice %arg8[%dma_wait3A_21] : memref<10000xi32, #tpu.memory_space<vmem>> -> memref<40xi32, #tpu.memory_space<vmem>>
    %dma_wait3A_23 = arith.constant 0 : i32
    %dma_wait3A_24 = arith.constant 0 : i32
    %dma_wait3A_25 = tpu.memref_slice %arg24[%dma_wait3A_23, %dma_wait3A_24] : memref<10240x128xf32, #tpu.memory_space<vmem_shared>> -> memref<10240x128xf32, #tpu.memory_space<vmem_shared>>
    tpu.wait_indirect_dma semaphore(%arg21 : memref<!tpu.dma_semaphore, #tpu.memory_space<semaphore_mem>>) src(%arg11 : memref<40x128xf32, #tpu.memory_space<vmem>>) dst(%dma_wait3A_25 : memref<10240x128xf32, #tpu.memory_space<vmem_shared>>)
    %dma_wait3A_26 = arith.constant 9920 : i32
    %dma_wait3A_27 = tpu.memref_slice %arg8[%dma_wait3A_26] : memref<10000xi32, #tpu.memory_space<vmem>> -> memref<40xi32, #tpu.memory_space<vmem>>
    %dma_wait3A_28 = arith.constant 0 : i32
    %dma_wait3A_29 = arith.constant 0 : i32
    %dma_wait3A_30 = tpu.memref_slice %arg24[%dma_wait3A_28, %dma_wait3A_29] : memref<10240x128xf32, #tpu.memory_space<vmem_shared>> -> memref<10240x128xf32, #tpu.memory_space<vmem_shared>>
    tpu.wait_indirect_dma semaphore(%arg22 : memref<!tpu.dma_semaphore, #tpu.memory_space<semaphore_mem>>) src(%arg12 : memref<40x128xf32, #tpu.memory_space<vmem>>) dst(%dma_wait3A_30 : memref<10240x128xf32, #tpu.memory_space<vmem_shared>>)
    %dma_wait3A_31 = arith.constant 9960 : i32
    %dma_wait3A_32 = tpu.memref_slice %arg8[%dma_wait3A_31] : memref<10000xi32, #tpu.memory_space<vmem>> -> memref<40xi32, #tpu.memory_space<vmem>>
    %dma_wait3A_33 = arith.constant 0 : i32
    %dma_wait3A_34 = arith.constant 0 : i32
    %dma_wait3A_35 = tpu.memref_slice %arg24[%dma_wait3A_33, %dma_wait3A_34] : memref<10240x128xf32, #tpu.memory_space<vmem_shared>> -> memref<10240x128xf32, #tpu.memory_space<vmem_shared>>
    tpu.wait_indirect_dma semaphore(%arg23 : memref<!tpu.dma_semaphore, #tpu.memory_space<semaphore_mem>>) src(%arg13 : memref<40x128xf32, #tpu.memory_space<vmem>>) dst(%dma_wait3A_35 : memref<10240x128xf32, #tpu.memory_space<vmem_shared>>)
    %barrier3A_36 = arith.constant 0 : index
    tpu.barrier barrier_id(%barrier3A_36)
    %mul3A_37 = arith.constant 640 : i32
    %mul3A_38 = arith.muli %arg1, %mul3A_37 : i32
    %mul3A_39 = arith.constant 10240 : i32
    %mul3A_40 = arith.muli %arg0, %mul3A_39 : i32
    %mul3A_41 = arith.constant 640 : i32
    %mul3A_42 = arith.muli %arg1, %mul3A_41 : i32
    %add3A_43 = arith.addi %mul3A_40, %mul3A_42 : i32
    "tpu.region"() ({
      %run_scoped3A = tpu.sem_alloc : memref<!tpu.dma_semaphore, #tpu.memory_space<semaphore_mem>>
      %dma_start3A = arith.constant 0 : i32
      %dma_start3A_44 = tpu.memref_slice %arg6[%add3A_43, %dma_start3A] : memref<20480x128xf32, #tpu.memory_space<hbm>> -> memref<640x128xf32, #tpu.memory_space<hbm>>
      %dma_start3A_45 = arith.constant 0 : i32
      %dma_start3A_46 = tpu.memref_slice %arg24[%mul3A_38, %dma_start3A_45] : memref<10240x128xf32, #tpu.memory_space<vmem_shared>> -> memref<640x128xf32, #tpu.memory_space<vmem_shared>>
      tpu.enqueue_dma source(%dma_start3A_46 : memref<640x128xf32, #tpu.memory_space<vmem_shared>>) target(%dma_start3A_44 : memref<640x128xf32, #tpu.memory_space<hbm>>) target_semaphore(%run_scoped3A : memref<!tpu.dma_semaphore, #tpu.memory_space<semaphore_mem>>)
      %dma_wait3A_47 = arith.constant 0 : i32
      %dma_wait3A_48 = tpu.memref_slice %arg6[%add3A_43, %dma_wait3A_47] : memref<20480x128xf32, #tpu.memory_space<hbm>> -> memref<640x128xf32, #tpu.memory_space<hbm>>
      %dma_wait3A_49 = arith.constant 0 : i32
      %dma_wait3A_50 = tpu.memref_slice %arg24[%mul3A_38, %dma_wait3A_49] : memref<10240x128xf32, #tpu.memory_space<vmem_shared>> -> memref<640x128xf32, #tpu.memory_space<vmem_shared>>
      tpu.wait_dma2 semaphore(%run_scoped3A : memref<!tpu.dma_semaphore, #tpu.memory_space<semaphore_mem>>) src(%dma_wait3A_50 : memref<640x128xf32, #tpu.memory_space<vmem_shared>>) dst(%dma_wait3A_48 : memref<640x128xf32, #tpu.memory_space<hbm>>)
      tpu.yield
    }) : () -> ()
    return
  }
}

#map = affine_map<(d0, d1) -> (0)>
#map1 = affine_map<(d0, d1) -> (0, 0)>
module attributes {stable_mosaic.version = 14 : i64} {
  func.func @_sc_degree_body(%arg0: i32, %arg1: i32, %arg2: memref<320000xi32, #tpu.memory_space<hbm>>, %arg3: memref<80x128xf32, #tpu.memory_space<hbm>>, %arg4: memref<10240x128xf32, #tpu.memory_space<hbm>>, %arg5: memref<20480x128xf32, #tpu.memory_space<hbm>>, %arg6: memref<10000xi32, #tpu.memory_space<vmem>>, %arg7: memref<80x128xf32, #tpu.memory_space<vmem>>, %arg8: memref<!tpu.dma_semaphore, #tpu.memory_space<semaphore_mem>>, %arg9: memref<!tpu.dma_semaphore, #tpu.memory_space<semaphore_mem>>, %arg10: memref<!tpu.dma_semaphore, #tpu.memory_space<semaphore_mem>>, %arg11: memref<!tpu.dma_semaphore, #tpu.memory_space<semaphore_mem>>, %arg12: memref<!tpu.dma_semaphore, #tpu.memory_space<semaphore_mem>>, %arg13: memref<10240x128xf32, #tpu.memory_space<vmem_shared>>) attributes {dimension_semantics = [#tpu.dimension_semantics<core_parallel>, #tpu.dimension_semantics<subcore_parallel>], iteration_bounds = array<i64: 2, 16>, scalar_prefetch = 0 : i64, scratch_operands = 8 : i64, tpu.core_type = #tpu.core_type<sc_vector_subcore>, window_params = [{transform_indices = #map}, {transform_indices = #map1}, {transform_indices = #map1}, {transform_indices = #map1}]} {
    %mul3A = arith.constant 16 : i32
    %mul3A_0 = arith.muli %arg0, %mul3A : i32
    %add3A = arith.addi %mul3A_0, %arg1 : i32
    %mul3A_1 = arith.constant 10000 : i32
    %mul3A_2 = arith.muli %add3A, %mul3A_1 : i32
    "tpu.region"() ({
      %run_scoped3A = tpu.sem_alloc : memref<!tpu.dma_semaphore, #tpu.memory_space<semaphore_mem>>
      %dma_start3A = tpu.memref_slice %arg2[%mul3A_2] : memref<320000xi32, #tpu.memory_space<hbm>> -> memref<10000xi32, #tpu.memory_space<hbm>>
      %dma_start3A_44 = tpu.memref_slice %arg2[%mul3A_2] : memref<320000xi32, #tpu.memory_space<hbm>> -> memref<10000xi32, #tpu.memory_space<hbm>>
      tpu.enqueue_dma source(%dma_start3A_44 : memref<10000xi32, #tpu.memory_space<hbm>>) target(%arg6 : memref<10000xi32, #tpu.memory_space<vmem>>) target_semaphore(%run_scoped3A : memref<!tpu.dma_semaphore, #tpu.memory_space<semaphore_mem>>)
      %dma_wait3A_45 = tpu.memref_slice %arg2[%mul3A_2] : memref<320000xi32, #tpu.memory_space<hbm>> -> memref<10000xi32, #tpu.memory_space<hbm>>
      %dma_wait3A_46 = tpu.memref_slice %arg2[%mul3A_2] : memref<320000xi32, #tpu.memory_space<hbm>> -> memref<10000xi32, #tpu.memory_space<hbm>>
      tpu.wait_dma2 semaphore(%run_scoped3A : memref<!tpu.dma_semaphore, #tpu.memory_space<semaphore_mem>>) src(%dma_wait3A_46 : memref<10000xi32, #tpu.memory_space<hbm>>) dst(%arg6 : memref<10000xi32, #tpu.memory_space<vmem>>)
      tpu.yield
    }) : () -> ()
    %mul3A_3 = arith.constant 640 : i32
    %mul3A_4 = arith.muli %arg1, %mul3A_3 : i32
    %mul3A_5 = arith.constant 640 : i32
    %mul3A_6 = arith.muli %arg1, %mul3A_5 : i32
    "tpu.region"() ({
      %run_scoped3A = tpu.sem_alloc : memref<!tpu.dma_semaphore, #tpu.memory_space<semaphore_mem>>
      %dma_start3A = arith.constant 0 : i32
      %dma_start3A_44 = tpu.memref_slice %arg13[%mul3A_6, %dma_start3A] : memref<10240x128xf32, #tpu.memory_space<vmem_shared>> -> memref<640x128xf32, #tpu.memory_space<vmem_shared>>
      %dma_start3A_45 = arith.constant 0 : i32
      %dma_start3A_46 = tpu.memref_slice %arg4[%mul3A_4, %dma_start3A_45] : memref<10240x128xf32, #tpu.memory_space<hbm>> -> memref<640x128xf32, #tpu.memory_space<hbm>>
      tpu.enqueue_dma source(%dma_start3A_46 : memref<640x128xf32, #tpu.memory_space<hbm>>) target(%dma_start3A_44 : memref<640x128xf32, #tpu.memory_space<vmem_shared>>) target_semaphore(%run_scoped3A : memref<!tpu.dma_semaphore, #tpu.memory_space<semaphore_mem>>)
      %dma_wait3A_47 = arith.constant 0 : i32
      %dma_wait3A_48 = tpu.memref_slice %arg13[%mul3A_6, %dma_wait3A_47] : memref<10240x128xf32, #tpu.memory_space<vmem_shared>> -> memref<640x128xf32, #tpu.memory_space<vmem_shared>>
      %dma_wait3A_49 = arith.constant 0 : i32
      %dma_wait3A_50 = tpu.memref_slice %arg4[%mul3A_4, %dma_wait3A_49] : memref<10240x128xf32, #tpu.memory_space<hbm>> -> memref<640x128xf32, #tpu.memory_space<hbm>>
      tpu.wait_dma2 semaphore(%run_scoped3A : memref<!tpu.dma_semaphore, #tpu.memory_space<semaphore_mem>>) src(%dma_wait3A_50 : memref<640x128xf32, #tpu.memory_space<hbm>>) dst(%dma_wait3A_48 : memref<640x128xf32, #tpu.memory_space<vmem_shared>>)
      tpu.yield
    }) : () -> ()
    "tpu.region"() ({
      %run_scoped3A = tpu.sem_alloc : memref<!tpu.dma_semaphore, #tpu.memory_space<semaphore_mem>>
      tpu.enqueue_dma source(%arg3 : memref<80x128xf32, #tpu.memory_space<hbm>>) target(%arg7 : memref<80x128xf32, #tpu.memory_space<vmem>>) target_semaphore(%run_scoped3A : memref<!tpu.dma_semaphore, #tpu.memory_space<semaphore_mem>>)
      tpu.wait_dma2 semaphore(%run_scoped3A : memref<!tpu.dma_semaphore, #tpu.memory_space<semaphore_mem>>) src(%arg3 : memref<80x128xf32, #tpu.memory_space<hbm>>) dst(%arg7 : memref<80x128xf32, #tpu.memory_space<vmem>>)
      tpu.yield
    }) : () -> ()
    %barrier3A = arith.constant 0 : index
    tpu.barrier barrier_id(%barrier3A)
    %scan3A = arith.constant 0 : i32
    %scan3A_7 = arith.constant 0 : i32
    %scan3A_8 = arith.constant 25 : i32
    %scan3A_9 = arith.addi %scan3A_7, %scan3A_8 : i32
    %scan3A_10 = arith.constant 1 : i32
    scf.for %scan3A_44 = %scan3A_7 to %scan3A_9 step %scan3A_10  : i32 {
      %gt3A = arith.constant 0 : i32
      %gt3A_45 = arith.cmpi sgt, %scan3A_44, %gt3A : i32
      %convert_element_type3A = arith.extui %gt3A_45 : i1 to i32
      %cond3A = arith.constant 0 : i32
      %cond3A_46 = arith.cmpi ne, %convert_element_type3A, %cond3A : i32
      scf.if %cond3A_46 {
        %mul3A_116 = arith.constant 5 : i32
        %mul3A_117 = arith.muli %scan3A_44, %mul3A_116 : i32
        %add3A_118 = arith.constant 0 : i32
        %add3A_119 = arith.addi %mul3A_117, %add3A_118 : i32
        %sub3A = arith.constant 5 : i32
        %sub3A_120 = arith.subi %add3A_119, %sub3A : i32
        %mul3A_121 = arith.constant 80 : i32
        %mul3A_122 = arith.muli %sub3A_120, %mul3A_121 : i32
        %dma_wait3A_123 = tpu.memref_slice %arg6[%mul3A_122] : memref<10000xi32, #tpu.memory_space<vmem>> -> memref<80xi32, #tpu.memory_space<vmem>>
        %dma_wait3A_124 = arith.constant 0 : i32
        %dma_wait3A_125 = arith.constant 0 : i32
        %dma_wait3A_126 = tpu.memref_slice %arg13[%dma_wait3A_124, %dma_wait3A_125] : memref<10240x128xf32, #tpu.memory_space<vmem_shared>> -> memref<10240x128xf32, #tpu.memory_space<vmem_shared>>
        tpu.wait_indirect_dma semaphore(%arg8 : memref<!tpu.dma_semaphore, #tpu.memory_space<semaphore_mem>>) src(%arg7 : memref<80x128xf32, #tpu.memory_space<vmem>>) dst(%dma_wait3A_126 : memref<10240x128xf32, #tpu.memory_space<vmem_shared>>)
      } else {
      }
      %mul3A_47 = arith.constant 5 : i32
      %mul3A_48 = arith.muli %scan3A_44, %mul3A_47 : i32
      %add3A_49 = arith.constant 0 : i32
      %add3A_50 = arith.addi %mul3A_48, %add3A_49 : i32
      %mul3A_51 = arith.constant 80 : i32
      %mul3A_52 = arith.muli %add3A_50, %mul3A_51 : i32
      %dma_start3A = tpu.memref_slice %arg6[%mul3A_52] : memref<10000xi32, #tpu.memory_space<vmem>> -> memref<80xi32, #tpu.memory_space<vmem>>
      %dma_start3A_53 = arith.constant 0 : i32
      %dma_start3A_54 = arith.constant 0 : i32
      %dma_start3A_55 = tpu.memref_slice %arg13[%dma_start3A_53, %dma_start3A_54] : memref<10240x128xf32, #tpu.memory_space<vmem_shared>> -> memref<10240x128xf32, #tpu.memory_space<vmem_shared>>
      tpu.enqueue_indirect_dma source(%arg7 : memref<80x128xf32, #tpu.memory_space<vmem>>) target(%dma_start3A_55 : memref<10240x128xf32, #tpu.memory_space<vmem_shared>>) offsets(%dma_start3A : memref<80xi32, #tpu.memory_space<vmem>>) semaphore(%arg8 : memref<!tpu.dma_semaphore, #tpu.memory_space<semaphore_mem>>) {add = true}
      %gt3A_56 = arith.constant 0 : i32
      %gt3A_57 = arith.cmpi sgt, %scan3A_44, %gt3A_56 : i32
      %convert_element_type3A_58 = arith.extui %gt3A_57 : i1 to i32
      %cond3A_59 = arith.constant 0 : i32
      %cond3A_60 = arith.cmpi ne, %convert_element_type3A_58, %cond3A_59 : i32
      scf.if %cond3A_60 {
        %mul3A_116 = arith.constant 5 : i32
        %mul3A_117 = arith.muli %scan3A_44, %mul3A_116 : i32
        %add3A_118 = arith.constant 1 : i32
        %add3A_119 = arith.addi %mul3A_117, %add3A_118 : i32
        %sub3A = arith.constant 5 : i32
        %sub3A_120 = arith.subi %add3A_119, %sub3A : i32
        %mul3A_121 = arith.constant 80 : i32
        %mul3A_122 = arith.muli %sub3A_120, %mul3A_121 : i32
        %dma_wait3A_123 = tpu.memref_slice %arg6[%mul3A_122] : memref<10000xi32, #tpu.memory_space<vmem>> -> memref<80xi32, #tpu.memory_space<vmem>>
        %dma_wait3A_124 = arith.constant 0 : i32
        %dma_wait3A_125 = arith.constant 0 : i32
        %dma_wait3A_126 = tpu.memref_slice %arg13[%dma_wait3A_124, %dma_wait3A_125] : memref<10240x128xf32, #tpu.memory_space<vmem_shared>> -> memref<10240x128xf32, #tpu.memory_space<vmem_shared>>
        tpu.wait_indirect_dma semaphore(%arg9 : memref<!tpu.dma_semaphore, #tpu.memory_space<semaphore_mem>>) src(%arg7 : memref<80x128xf32, #tpu.memory_space<vmem>>) dst(%dma_wait3A_126 : memref<10240x128xf32, #tpu.memory_space<vmem_shared>>)
      } else {
      }
      %mul3A_61 = arith.constant 5 : i32
      %mul3A_62 = arith.muli %scan3A_44, %mul3A_61 : i32
      %add3A_63 = arith.constant 1 : i32
      %add3A_64 = arith.addi %mul3A_62, %add3A_63 : i32
      %mul3A_65 = arith.constant 80 : i32
      %mul3A_66 = arith.muli %add3A_64, %mul3A_65 : i32
      %dma_start3A_67 = tpu.memref_slice %arg6[%mul3A_66] : memref<10000xi32, #tpu.memory_space<vmem>> -> memref<80xi32, #tpu.memory_space<vmem>>
      %dma_start3A_68 = arith.constant 0 : i32
      %dma_start3A_69 = arith.constant 0 : i32
      %dma_start3A_70 = tpu.memref_slice %arg13[%dma_start3A_68, %dma_start3A_69] : memref<10240x128xf32, #tpu.memory_space<vmem_shared>> -> memref<10240x128xf32, #tpu.memory_space<vmem_shared>>
      tpu.enqueue_indirect_dma source(%arg7 : memref<80x128xf32, #tpu.memory_space<vmem>>) target(%dma_start3A_70 : memref<10240x128xf32, #tpu.memory_space<vmem_shared>>) offsets(%dma_start3A_67 : memref<80xi32, #tpu.memory_space<vmem>>) semaphore(%arg9 : memref<!tpu.dma_semaphore, #tpu.memory_space<semaphore_mem>>) {add = true}
      %gt3A_71 = arith.constant 0 : i32
      %gt3A_72 = arith.cmpi sgt, %scan3A_44, %gt3A_71 : i32
      %convert_element_type3A_73 = arith.extui %gt3A_72 : i1 to i32
      %cond3A_74 = arith.constant 0 : i32
      %cond3A_75 = arith.cmpi ne, %convert_element_type3A_73, %cond3A_74 : i32
      scf.if %cond3A_75 {
        %mul3A_116 = arith.constant 5 : i32
        %mul3A_117 = arith.muli %scan3A_44, %mul3A_116 : i32
        %add3A_118 = arith.constant 2 : i32
        %add3A_119 = arith.addi %mul3A_117, %add3A_118 : i32
        %sub3A = arith.constant 5 : i32
        %sub3A_120 = arith.subi %add3A_119, %sub3A : i32
        %mul3A_121 = arith.constant 80 : i32
        %mul3A_122 = arith.muli %sub3A_120, %mul3A_121 : i32
        %dma_wait3A_123 = tpu.memref_slice %arg6[%mul3A_122] : memref<10000xi32, #tpu.memory_space<vmem>> -> memref<80xi32, #tpu.memory_space<vmem>>
        %dma_wait3A_124 = arith.constant 0 : i32
        %dma_wait3A_125 = arith.constant 0 : i32
        %dma_wait3A_126 = tpu.memref_slice %arg13[%dma_wait3A_124, %dma_wait3A_125] : memref<10240x128xf32, #tpu.memory_space<vmem_shared>> -> memref<10240x128xf32, #tpu.memory_space<vmem_shared>>
        tpu.wait_indirect_dma semaphore(%arg10 : memref<!tpu.dma_semaphore, #tpu.memory_space<semaphore_mem>>) src(%arg7 : memref<80x128xf32, #tpu.memory_space<vmem>>) dst(%dma_wait3A_126 : memref<10240x128xf32, #tpu.memory_space<vmem_shared>>)
      } else {
      }
      %mul3A_76 = arith.constant 5 : i32
      %mul3A_77 = arith.muli %scan3A_44, %mul3A_76 : i32
      %add3A_78 = arith.constant 2 : i32
      %add3A_79 = arith.addi %mul3A_77, %add3A_78 : i32
      %mul3A_80 = arith.constant 80 : i32
      %mul3A_81 = arith.muli %add3A_79, %mul3A_80 : i32
      %dma_start3A_82 = tpu.memref_slice %arg6[%mul3A_81] : memref<10000xi32, #tpu.memory_space<vmem>> -> memref<80xi32, #tpu.memory_space<vmem>>
      %dma_start3A_83 = arith.constant 0 : i32
      %dma_start3A_84 = arith.constant 0 : i32
      %dma_start3A_85 = tpu.memref_slice %arg13[%dma_start3A_83, %dma_start3A_84] : memref<10240x128xf32, #tpu.memory_space<vmem_shared>> -> memref<10240x128xf32, #tpu.memory_space<vmem_shared>>
      tpu.enqueue_indirect_dma source(%arg7 : memref<80x128xf32, #tpu.memory_space<vmem>>) target(%dma_start3A_85 : memref<10240x128xf32, #tpu.memory_space<vmem_shared>>) offsets(%dma_start3A_82 : memref<80xi32, #tpu.memory_space<vmem>>) semaphore(%arg10 : memref<!tpu.dma_semaphore, #tpu.memory_space<semaphore_mem>>) {add = true}
      %gt3A_86 = arith.constant 0 : i32
      %gt3A_87 = arith.cmpi sgt, %scan3A_44, %gt3A_86 : i32
      %convert_element_type3A_88 = arith.extui %gt3A_87 : i1 to i32
      %cond3A_89 = arith.constant 0 : i32
      %cond3A_90 = arith.cmpi ne, %convert_element_type3A_88, %cond3A_89 : i32
      scf.if %cond3A_90 {
        %mul3A_116 = arith.constant 5 : i32
        %mul3A_117 = arith.muli %scan3A_44, %mul3A_116 : i32
        %add3A_118 = arith.constant 3 : i32
        %add3A_119 = arith.addi %mul3A_117, %add3A_118 : i32
        %sub3A = arith.constant 5 : i32
        %sub3A_120 = arith.subi %add3A_119, %sub3A : i32
        %mul3A_121 = arith.constant 80 : i32
        %mul3A_122 = arith.muli %sub3A_120, %mul3A_121 : i32
        %dma_wait3A_123 = tpu.memref_slice %arg6[%mul3A_122] : memref<10000xi32, #tpu.memory_space<vmem>> -> memref<80xi32, #tpu.memory_space<vmem>>
        %dma_wait3A_124 = arith.constant 0 : i32
        %dma_wait3A_125 = arith.constant 0 : i32
        %dma_wait3A_126 = tpu.memref_slice %arg13[%dma_wait3A_124, %dma_wait3A_125] : memref<10240x128xf32, #tpu.memory_space<vmem_shared>> -> memref<10240x128xf32, #tpu.memory_space<vmem_shared>>
        tpu.wait_indirect_dma semaphore(%arg11 : memref<!tpu.dma_semaphore, #tpu.memory_space<semaphore_mem>>) src(%arg7 : memref<80x128xf32, #tpu.memory_space<vmem>>) dst(%dma_wait3A_126 : memref<10240x128xf32, #tpu.memory_space<vmem_shared>>)
      } else {
      }
      %mul3A_91 = arith.constant 5 : i32
      %mul3A_92 = arith.muli %scan3A_44, %mul3A_91 : i32
      %add3A_93 = arith.constant 3 : i32
      %add3A_94 = arith.addi %mul3A_92, %add3A_93 : i32
      %mul3A_95 = arith.constant 80 : i32
      %mul3A_96 = arith.muli %add3A_94, %mul3A_95 : i32
      %dma_start3A_97 = tpu.memref_slice %arg6[%mul3A_96] : memref<10000xi32, #tpu.memory_space<vmem>> -> memref<80xi32, #tpu.memory_space<vmem>>
      %dma_start3A_98 = arith.constant 0 : i32
      %dma_start3A_99 = arith.constant 0 : i32
      %dma_start3A_100 = tpu.memref_slice %arg13[%dma_start3A_98, %dma_start3A_99] : memref<10240x128xf32, #tpu.memory_space<vmem_shared>> -> memref<10240x128xf32, #tpu.memory_space<vmem_shared>>
      tpu.enqueue_indirect_dma source(%arg7 : memref<80x128xf32, #tpu.memory_space<vmem>>) target(%dma_start3A_100 : memref<10240x128xf32, #tpu.memory_space<vmem_shared>>) offsets(%dma_start3A_97 : memref<80xi32, #tpu.memory_space<vmem>>) semaphore(%arg11 : memref<!tpu.dma_semaphore, #tpu.memory_space<semaphore_mem>>) {add = true}
      %gt3A_101 = arith.constant 0 : i32
      %gt3A_102 = arith.cmpi sgt, %scan3A_44, %gt3A_101 : i32
      %convert_element_type3A_103 = arith.extui %gt3A_102 : i1 to i32
      %cond3A_104 = arith.constant 0 : i32
      %cond3A_105 = arith.cmpi ne, %convert_element_type3A_103, %cond3A_104 : i32
      scf.if %cond3A_105 {
        %mul3A_116 = arith.constant 5 : i32
        %mul3A_117 = arith.muli %scan3A_44, %mul3A_116 : i32
        %add3A_118 = arith.constant 4 : i32
        %add3A_119 = arith.addi %mul3A_117, %add3A_118 : i32
        %sub3A = arith.constant 5 : i32
        %sub3A_120 = arith.subi %add3A_119, %sub3A : i32
        %mul3A_121 = arith.constant 80 : i32
        %mul3A_122 = arith.muli %sub3A_120, %mul3A_121 : i32
        %dma_wait3A_123 = tpu.memref_slice %arg6[%mul3A_122] : memref<10000xi32, #tpu.memory_space<vmem>> -> memref<80xi32, #tpu.memory_space<vmem>>
        %dma_wait3A_124 = arith.constant 0 : i32
        %dma_wait3A_125 = arith.constant 0 : i32
        %dma_wait3A_126 = tpu.memref_slice %arg13[%dma_wait3A_124, %dma_wait3A_125] : memref<10240x128xf32, #tpu.memory_space<vmem_shared>> -> memref<10240x128xf32, #tpu.memory_space<vmem_shared>>
        tpu.wait_indirect_dma semaphore(%arg12 : memref<!tpu.dma_semaphore, #tpu.memory_space<semaphore_mem>>) src(%arg7 : memref<80x128xf32, #tpu.memory_space<vmem>>) dst(%dma_wait3A_126 : memref<10240x128xf32, #tpu.memory_space<vmem_shared>>)
      } else {
      }
      %mul3A_106 = arith.constant 5 : i32
      %mul3A_107 = arith.muli %scan3A_44, %mul3A_106 : i32
      %add3A_108 = arith.constant 4 : i32
      %add3A_109 = arith.addi %mul3A_107, %add3A_108 : i32
      %mul3A_110 = arith.constant 80 : i32
      %mul3A_111 = arith.muli %add3A_109, %mul3A_110 : i32
      %dma_start3A_112 = tpu.memref_slice %arg6[%mul3A_111] : memref<10000xi32, #tpu.memory_space<vmem>> -> memref<80xi32, #tpu.memory_space<vmem>>
      %dma_start3A_113 = arith.constant 0 : i32
      %dma_start3A_114 = arith.constant 0 : i32
      %dma_start3A_115 = tpu.memref_slice %arg13[%dma_start3A_113, %dma_start3A_114] : memref<10240x128xf32, #tpu.memory_space<vmem_shared>> -> memref<10240x128xf32, #tpu.memory_space<vmem_shared>>
      tpu.enqueue_indirect_dma source(%arg7 : memref<80x128xf32, #tpu.memory_space<vmem>>) target(%dma_start3A_115 : memref<10240x128xf32, #tpu.memory_space<vmem_shared>>) offsets(%dma_start3A_112 : memref<80xi32, #tpu.memory_space<vmem>>) semaphore(%arg12 : memref<!tpu.dma_semaphore, #tpu.memory_space<semaphore_mem>>) {add = true}
    }
    %scan3A_11 = arith.constant 25 : i32
    %dma_wait3A = arith.constant 9600 : i32
    %dma_wait3A_12 = tpu.memref_slice %arg6[%dma_wait3A] : memref<10000xi32, #tpu.memory_space<vmem>> -> memref<80xi32, #tpu.memory_space<vmem>>
    %dma_wait3A_13 = arith.constant 0 : i32
    %dma_wait3A_14 = arith.constant 0 : i32
    %dma_wait3A_15 = tpu.memref_slice %arg13[%dma_wait3A_13, %dma_wait3A_14] : memref<10240x128xf32, #tpu.memory_space<vmem_shared>> -> memref<10240x128xf32, #tpu.memory_space<vmem_shared>>
    tpu.wait_indirect_dma semaphore(%arg8 : memref<!tpu.dma_semaphore, #tpu.memory_space<semaphore_mem>>) src(%arg7 : memref<80x128xf32, #tpu.memory_space<vmem>>) dst(%dma_wait3A_15 : memref<10240x128xf32, #tpu.memory_space<vmem_shared>>)
    %dma_wait3A_16 = arith.constant 9680 : i32
    %dma_wait3A_17 = tpu.memref_slice %arg6[%dma_wait3A_16] : memref<10000xi32, #tpu.memory_space<vmem>> -> memref<80xi32, #tpu.memory_space<vmem>>
    %dma_wait3A_18 = arith.constant 0 : i32
    %dma_wait3A_19 = arith.constant 0 : i32
    %dma_wait3A_20 = tpu.memref_slice %arg13[%dma_wait3A_18, %dma_wait3A_19] : memref<10240x128xf32, #tpu.memory_space<vmem_shared>> -> memref<10240x128xf32, #tpu.memory_space<vmem_shared>>
    tpu.wait_indirect_dma semaphore(%arg9 : memref<!tpu.dma_semaphore, #tpu.memory_space<semaphore_mem>>) src(%arg7 : memref<80x128xf32, #tpu.memory_space<vmem>>) dst(%dma_wait3A_20 : memref<10240x128xf32, #tpu.memory_space<vmem_shared>>)
    %dma_wait3A_21 = arith.constant 9760 : i32
    %dma_wait3A_22 = tpu.memref_slice %arg6[%dma_wait3A_21] : memref<10000xi32, #tpu.memory_space<vmem>> -> memref<80xi32, #tpu.memory_space<vmem>>
    %dma_wait3A_23 = arith.constant 0 : i32
    %dma_wait3A_24 = arith.constant 0 : i32
    %dma_wait3A_25 = tpu.memref_slice %arg13[%dma_wait3A_23, %dma_wait3A_24] : memref<10240x128xf32, #tpu.memory_space<vmem_shared>> -> memref<10240x128xf32, #tpu.memory_space<vmem_shared>>
    tpu.wait_indirect_dma semaphore(%arg10 : memref<!tpu.dma_semaphore, #tpu.memory_space<semaphore_mem>>) src(%arg7 : memref<80x128xf32, #tpu.memory_space<vmem>>) dst(%dma_wait3A_25 : memref<10240x128xf32, #tpu.memory_space<vmem_shared>>)
    %dma_wait3A_26 = arith.constant 9840 : i32
    %dma_wait3A_27 = tpu.memref_slice %arg6[%dma_wait3A_26] : memref<10000xi32, #tpu.memory_space<vmem>> -> memref<80xi32, #tpu.memory_space<vmem>>
    %dma_wait3A_28 = arith.constant 0 : i32
    %dma_wait3A_29 = arith.constant 0 : i32
    %dma_wait3A_30 = tpu.memref_slice %arg13[%dma_wait3A_28, %dma_wait3A_29] : memref<10240x128xf32, #tpu.memory_space<vmem_shared>> -> memref<10240x128xf32, #tpu.memory_space<vmem_shared>>
    tpu.wait_indirect_dma semaphore(%arg11 : memref<!tpu.dma_semaphore, #tpu.memory_space<semaphore_mem>>) src(%arg7 : memref<80x128xf32, #tpu.memory_space<vmem>>) dst(%dma_wait3A_30 : memref<10240x128xf32, #tpu.memory_space<vmem_shared>>)
    %dma_wait3A_31 = arith.constant 9920 : i32
    %dma_wait3A_32 = tpu.memref_slice %arg6[%dma_wait3A_31] : memref<10000xi32, #tpu.memory_space<vmem>> -> memref<80xi32, #tpu.memory_space<vmem>>
    %dma_wait3A_33 = arith.constant 0 : i32
    %dma_wait3A_34 = arith.constant 0 : i32
    %dma_wait3A_35 = tpu.memref_slice %arg13[%dma_wait3A_33, %dma_wait3A_34] : memref<10240x128xf32, #tpu.memory_space<vmem_shared>> -> memref<10240x128xf32, #tpu.memory_space<vmem_shared>>
    tpu.wait_indirect_dma semaphore(%arg12 : memref<!tpu.dma_semaphore, #tpu.memory_space<semaphore_mem>>) src(%arg7 : memref<80x128xf32, #tpu.memory_space<vmem>>) dst(%dma_wait3A_35 : memref<10240x128xf32, #tpu.memory_space<vmem_shared>>)
    %barrier3A_36 = arith.constant 0 : index
    tpu.barrier barrier_id(%barrier3A_36)
    %mul3A_37 = arith.constant 640 : i32
    %mul3A_38 = arith.muli %arg1, %mul3A_37 : i32
    %mul3A_39 = arith.constant 10240 : i32
    %mul3A_40 = arith.muli %arg0, %mul3A_39 : i32
    %mul3A_41 = arith.constant 640 : i32
    %mul3A_42 = arith.muli %arg1, %mul3A_41 : i32
    %add3A_43 = arith.addi %mul3A_40, %mul3A_42 : i32
    "tpu.region"() ({
      %run_scoped3A = tpu.sem_alloc : memref<!tpu.dma_semaphore, #tpu.memory_space<semaphore_mem>>
      %dma_start3A = arith.constant 0 : i32
      %dma_start3A_44 = tpu.memref_slice %arg5[%add3A_43, %dma_start3A] : memref<20480x128xf32, #tpu.memory_space<hbm>> -> memref<640x128xf32, #tpu.memory_space<hbm>>
      %dma_start3A_45 = arith.constant 0 : i32
      %dma_start3A_46 = tpu.memref_slice %arg13[%mul3A_38, %dma_start3A_45] : memref<10240x128xf32, #tpu.memory_space<vmem_shared>> -> memref<640x128xf32, #tpu.memory_space<vmem_shared>>
      tpu.enqueue_dma source(%dma_start3A_46 : memref<640x128xf32, #tpu.memory_space<vmem_shared>>) target(%dma_start3A_44 : memref<640x128xf32, #tpu.memory_space<hbm>>) target_semaphore(%run_scoped3A : memref<!tpu.dma_semaphore, #tpu.memory_space<semaphore_mem>>)
      %dma_wait3A_47 = arith.constant 0 : i32
      %dma_wait3A_48 = tpu.memref_slice %arg5[%add3A_43, %dma_wait3A_47] : memref<20480x128xf32, #tpu.memory_space<hbm>> -> memref<640x128xf32, #tpu.memory_space<hbm>>
      %dma_wait3A_49 = arith.constant 0 : i32
      %dma_wait3A_50 = tpu.memref_slice %arg13[%mul3A_38, %dma_wait3A_49] : memref<10240x128xf32, #tpu.memory_space<vmem_shared>> -> memref<640x128xf32, #tpu.memory_space<vmem_shared>>
      tpu.wait_dma2 semaphore(%run_scoped3A : memref<!tpu.dma_semaphore, #tpu.memory_space<semaphore_mem>>) src(%dma_wait3A_50 : memref<640x128xf32, #tpu.memory_space<vmem_shared>>) dst(%dma_wait3A_48 : memref<640x128xf32, #tpu.memory_space<hbm>>)
      tpu.yield
    }) : () -> ()
    return
  }
}

module attributes {stable_mosaic.version = 14 : i64} {
  func.func @_tc1_body(%arg0: memref<10000x128xf32, #tpu.memory_space<vmem>>, %arg1: memref<128x128xf32, #tpu.memory_space<vmem>>, %arg2: memref<20480x128xf32, #tpu.memory_space<vmem>>, %arg3: memref<10000x128xf32, #tpu.memory_space<vmem>>) attributes {dimension_semantics = [], scalar_prefetch = 0 : i64, scratch_operands = 0 : i64, tpu.core_type = #tpu.core_type<tc>} {
    %get3A = arith.constant 0 : index
    %get3A_0 = arith.constant 0 : index
    %get3A_1 = vector.load %arg2[%get3A, %get3A_0] : memref<20480x128xf32, #tpu.memory_space<vmem>>, vector<10000x1xf32>
    %get3A_2 = arith.constant 10240 : index
    %get3A_3 = arith.constant 0 : index
    %get3A_4 = vector.load %arg2[%get3A_2, %get3A_3] : memref<20480x128xf32, #tpu.memory_space<vmem>>, vector<10000x1xf32>
    %add3A = arith.addf %get3A_1, %get3A_4 : vector<10000x1xf32>
    %add3A_5 = arith.constant 1.000000e+00 : f32
    %add3A_6 = vector.broadcast %add3A_5 : f32 to vector<10000x1xf32>
    %add3A_7 = arith.addf %add3A, %add3A_6 : vector<10000x1xf32>
    %rsqrt3A = math.rsqrt %add3A_7 : vector<10000x1xf32>
    %get3A_8 = arith.constant 0 : index
    %get3A_9 = arith.constant 0 : index
    %get3A_10 = vector.load %arg0[%get3A_8, %get3A_9] : memref<10000x128xf32, #tpu.memory_space<vmem>>, vector<10000x128xf32>
    %get3A_11 = arith.constant 0 : index
    %get3A_12 = arith.constant 0 : index
    %get3A_13 = vector.load %arg1[%get3A_11, %get3A_12] : memref<128x128xf32, #tpu.memory_space<vmem>>, vector<128x128xf32>
    %dot_general3A = arith.constant dense<0.000000e+00> : vector<10000x128xf32>
    %dot_general3A_14 = tpu.matmul %get3A_10, %get3A_13, %dot_general3A {dimension_numbers = #tpu.dot_dimension_numbers<[1], [0], [0], [1], [0, 0, 1, 1], [], []>, transpose_lhs_hint = false} : vector<10000x128xf32>, vector<128x128xf32>, vector<10000x128xf32> -> vector<10000x128xf32>
    %mul3A = vector.broadcast %rsqrt3A : vector<10000x1xf32> to vector<10000x128xf32>
    %mul3A_15 = arith.mulf %dot_general3A_14, %mul3A : vector<10000x128xf32>
    %swap3A = arith.constant 0 : index
    %swap3A_16 = arith.constant 0 : index
    %swap3A_17 = vector.load %arg3[%swap3A, %swap3A_16] : memref<10000x128xf32, #tpu.memory_space<vmem>>, vector<10000x128xf32>
    tpu.vector_store %arg3[%swap3A, %swap3A_16], %mul3A_15 {strides = array<i32>} : memref<10000x128xf32, #tpu.memory_space<vmem>>, vector<10000x128xf32>,
    return
  }
}

module attributes {stable_mosaic.version = 14 : i64} {
  func.func @_tc2_body(%arg0: memref<20480x128xf32, #tpu.memory_space<vmem>>, %arg1: memref<10000x128xf32, #tpu.memory_space<vmem>>, %arg2: memref<20480x128xf32, #tpu.memory_space<vmem>>, %arg3: memref<1x128xf32, #tpu.memory_space<vmem>>, %arg4: memref<128x128xf32, #tpu.memory_space<vmem>>, %arg5: memref<10000x128xf32, #tpu.memory_space<vmem>>) attributes {dimension_semantics = [], scalar_prefetch = 0 : i64, scratch_operands = 0 : i64, tpu.core_type = #tpu.core_type<tc>} {
    %get3A = arith.constant 0 : index
    %get3A_0 = arith.constant 0 : index
    %get3A_1 = vector.load %arg2[%get3A, %get3A_0] : memref<20480x128xf32, #tpu.memory_space<vmem>>, vector<10000x1xf32>
    %get3A_2 = arith.constant 10240 : index
    %get3A_3 = arith.constant 0 : index
    %get3A_4 = vector.load %arg2[%get3A_2, %get3A_3] : memref<20480x128xf32, #tpu.memory_space<vmem>>, vector<10000x1xf32>
    %add3A = arith.addf %get3A_1, %get3A_4 : vector<10000x1xf32>
    %add3A_5 = arith.constant 1.000000e+00 : f32
    %add3A_6 = vector.broadcast %add3A_5 : f32 to vector<10000x1xf32>
    %add3A_7 = arith.addf %add3A, %add3A_6 : vector<10000x1xf32>
    %rsqrt3A = math.rsqrt %add3A_7 : vector<10000x1xf32>
    %get3A_8 = arith.constant 0 : index
    %get3A_9 = arith.constant 0 : index
    %get3A_10 = vector.load %arg0[%get3A_8, %get3A_9] : memref<20480x128xf32, #tpu.memory_space<vmem>>, vector<10000x128xf32>
    %get3A_11 = arith.constant 10240 : index
    %get3A_12 = arith.constant 0 : index
    %get3A_13 = vector.load %arg0[%get3A_11, %get3A_12] : memref<20480x128xf32, #tpu.memory_space<vmem>>, vector<10000x128xf32>
    %add3A_14 = arith.addf %get3A_10, %get3A_13 : vector<10000x128xf32>
    %get3A_15 = arith.constant 0 : index
    %get3A_16 = arith.constant 0 : index
    %get3A_17 = vector.load %arg1[%get3A_15, %get3A_16] : memref<10000x128xf32, #tpu.memory_space<vmem>>, vector<10000x128xf32>
    %add3A_18 = arith.addf %add3A_14, %get3A_17 : vector<10000x128xf32>
    %mul3A = vector.broadcast %rsqrt3A : vector<10000x1xf32> to vector<10000x128xf32>
    %mul3A_19 = arith.mulf %add3A_18, %mul3A : vector<10000x128xf32>
    %get3A_20 = arith.constant 0 : index
    %get3A_21 = arith.constant 0 : index
    %get3A_22 = vector.load %arg3[%get3A_20, %get3A_21] : memref<1x128xf32, #tpu.memory_space<vmem>>, vector<1x128xf32>
    %add3A_23 = vector.broadcast %get3A_22 : vector<1x128xf32> to vector<10000x128xf32>
    %add3A_24 = arith.addf %mul3A_19, %add3A_23 : vector<10000x128xf32>
    %max3A = arith.constant 0.000000e+00 : f32
    %max3A_25 = vector.broadcast %max3A : f32 to vector<10000x128xf32>
    %max3A_26 = arith.maximumf %add3A_24, %max3A_25 : vector<10000x128xf32>
    %get3A_27 = arith.constant 0 : index
    %get3A_28 = arith.constant 0 : index
    %get3A_29 = vector.load %arg4[%get3A_27, %get3A_28] : memref<128x128xf32, #tpu.memory_space<vmem>>, vector<128x128xf32>
    %dot_general3A = arith.constant dense<0.000000e+00> : vector<10000x128xf32>
    %dot_general3A_30 = tpu.matmul %max3A_26, %get3A_29, %dot_general3A {dimension_numbers = #tpu.dot_dimension_numbers<[1], [0], [0], [1], [0, 0, 1, 1], [], []>, transpose_lhs_hint = false} : vector<10000x128xf32>, vector<128x128xf32>, vector<10000x128xf32> -> vector<10000x128xf32>
    %mul3A_31 = vector.broadcast %rsqrt3A : vector<10000x1xf32> to vector<10000x128xf32>
    %mul3A_32 = arith.mulf %dot_general3A_30, %mul3A_31 : vector<10000x128xf32>
    %swap3A = arith.constant 0 : index
    %swap3A_33 = arith.constant 0 : index
    %swap3A_34 = vector.load %arg5[%swap3A, %swap3A_33] : memref<10000x128xf32, #tpu.memory_space<vmem>>, vector<10000x128xf32>
    tpu.vector_store %arg5[%swap3A, %swap3A_33], %mul3A_32 {strides = array<i32>} : memref<10000x128xf32, #tpu.memory_space<vmem>>, vector<10000x128xf32>,
    return
  }
}

module attributes {stable_mosaic.version = 14 : i64} {
  func.func @_tc3_body(%arg0: memref<20480x128xf32, #tpu.memory_space<vmem>>, %arg1: memref<10000x128xf32, #tpu.memory_space<vmem>>, %arg2: memref<20480x128xf32, #tpu.memory_space<vmem>>, %arg3: memref<1x128xf32, #tpu.memory_space<vmem>>, %arg4: memref<10000x1xi32, #tpu.memory_space<vmem>>, %arg5: memref<128x16xf32, #tpu.memory_space<vmem>>, %arg6: memref<1x16xf32, #tpu.memory_space<vmem>>, %arg7: memref<64x16xf32, #tpu.memory_space<vmem>>) attributes {dimension_semantics = [], scalar_prefetch = 0 : i64, scratch_operands = 0 : i64, tpu.core_type = #tpu.core_type<tc>} {
    %get3A = arith.constant 0 : index
    %get3A_0 = arith.constant 0 : index
    %get3A_1 = vector.load %arg2[%get3A, %get3A_0] : memref<20480x128xf32, #tpu.memory_space<vmem>>, vector<10000x1xf32>
    %get3A_2 = arith.constant 10240 : index
    %get3A_3 = arith.constant 0 : index
    %get3A_4 = vector.load %arg2[%get3A_2, %get3A_3] : memref<20480x128xf32, #tpu.memory_space<vmem>>, vector<10000x1xf32>
    %add3A = arith.addf %get3A_1, %get3A_4 : vector<10000x1xf32>
    %add3A_5 = arith.constant 1.000000e+00 : f32
    %add3A_6 = vector.broadcast %add3A_5 : f32 to vector<10000x1xf32>
    %add3A_7 = arith.addf %add3A, %add3A_6 : vector<10000x1xf32>
    %rsqrt3A = math.rsqrt %add3A_7 : vector<10000x1xf32>
    %get3A_8 = arith.constant 0 : index
    %get3A_9 = arith.constant 0 : index
    %get3A_10 = vector.load %arg0[%get3A_8, %get3A_9] : memref<20480x128xf32, #tpu.memory_space<vmem>>, vector<10000x128xf32>
    %get3A_11 = arith.constant 10240 : index
    %get3A_12 = arith.constant 0 : index
    %get3A_13 = vector.load %arg0[%get3A_11, %get3A_12] : memref<20480x128xf32, #tpu.memory_space<vmem>>, vector<10000x128xf32>
    %add3A_14 = arith.addf %get3A_10, %get3A_13 : vector<10000x128xf32>
    %get3A_15 = arith.constant 0 : index
    %get3A_16 = arith.constant 0 : index
    %get3A_17 = vector.load %arg1[%get3A_15, %get3A_16] : memref<10000x128xf32, #tpu.memory_space<vmem>>, vector<10000x128xf32>
    %add3A_18 = arith.addf %add3A_14, %get3A_17 : vector<10000x128xf32>
    %mul3A = vector.broadcast %rsqrt3A : vector<10000x1xf32> to vector<10000x128xf32>
    %mul3A_19 = arith.mulf %add3A_18, %mul3A : vector<10000x128xf32>
    %get3A_20 = arith.constant 0 : index
    %get3A_21 = arith.constant 0 : index
    %get3A_22 = vector.load %arg3[%get3A_20, %get3A_21] : memref<1x128xf32, #tpu.memory_space<vmem>>, vector<1x128xf32>
    %add3A_23 = vector.broadcast %get3A_22 : vector<1x128xf32> to vector<10000x128xf32>
    %add3A_24 = arith.addf %mul3A_19, %add3A_23 : vector<10000x128xf32>
    %max3A = arith.constant 0.000000e+00 : f32
    %max3A_25 = vector.broadcast %max3A : f32 to vector<10000x128xf32>
    %max3A_26 = arith.maximumf %add3A_24, %max3A_25 : vector<10000x128xf32>
    %iota3A = tpu.iota {dimensions = array<i32: 1>} : vector<10000x64xi32>
    %get3A_27 = arith.constant 0 : index
    %get3A_28 = arith.constant 0 : index
    %get3A_29 = vector.load %arg4[%get3A_27, %get3A_28] : memref<10000x1xi32, #tpu.memory_space<vmem>>, vector<10000x1xi32>
    %eq3A = vector.broadcast %get3A_29 : vector<10000x1xi32> to vector<10000x64xi32>
    %eq3A_30 = arith.cmpi eq, %eq3A, %iota3A : vector<10000x64xi32>
    %convert_element_type3A = arith.extui %eq3A_30 : vector<10000x64xi1> to vector<10000x64xi32>
    %convert_element_type3A_31 = arith.sitofp %convert_element_type3A : vector<10000x64xi32> to vector<10000x64xf32>
    %dot_general3A = arith.constant dense<0.000000e+00> : vector<64x128xf32>
    %dot_general3A_32 = tpu.matmul %convert_element_type3A_31, %max3A_26, %dot_general3A {dimension_numbers = #tpu.dot_dimension_numbers<[0], [0], [1], [1], [0, 1, 1, 1], [], []>, transpose_lhs_hint = false} : vector<10000x64xf32>, vector<10000x128xf32>, vector<64x128xf32> -> vector<64x128xf32>
    %broadcast_in_dim3A = arith.constant 1.000000e+00 : f32
    %broadcast_in_dim3A_33 = vector.broadcast %broadcast_in_dim3A : f32 to vector<10000x1xf32>
    %dot_general3A_34 = arith.constant dense<0.000000e+00> : vector<64x1xf32>
    %dot_general3A_35 = tpu.matmul %convert_element_type3A_31, %broadcast_in_dim3A_33, %dot_general3A_34 {dimension_numbers = #tpu.dot_dimension_numbers<[0], [0], [1], [1], [0, 1, 1, 1], [], []>, transpose_lhs_hint = false} : vector<10000x64xf32>, vector<10000x1xf32>, vector<64x1xf32> -> vector<64x1xf32>
    %max3A_36 = arith.constant 1.000000e+00 : f32
    %max3A_37 = vector.broadcast %max3A_36 : f32 to vector<64x1xf32>
    %max3A_38 = arith.maximumf %dot_general3A_35, %max3A_37 : vector<64x1xf32>
    %div3A = vector.broadcast %max3A_38 : vector<64x1xf32> to vector<64x128xf32>
    %div3A_39 = arith.divf %dot_general3A_32, %div3A : vector<64x128xf32>
    %get3A_40 = arith.constant 0 : index
    %get3A_41 = arith.constant 0 : index
    %get3A_42 = vector.load %arg5[%get3A_40, %get3A_41] : memref<128x16xf32, #tpu.memory_space<vmem>>, vector<128x16xf32>
    %dot_general3A_43 = arith.constant dense<0.000000e+00> : vector<64x16xf32>
    %dot_general3A_44 = tpu.matmul %div3A_39, %get3A_42, %dot_general3A_43 {dimension_numbers = #tpu.dot_dimension_numbers<[1], [0], [0], [1], [0, 0, 1, 1], [], []>, transpose_lhs_hint = false} : vector<64x128xf32>, vector<128x16xf32>, vector<64x16xf32> -> vector<64x16xf32>
    %get3A_45 = arith.constant 0 : index
    %get3A_46 = arith.constant 0 : index
    %get3A_47 = vector.load %arg6[%get3A_45, %get3A_46] : memref<1x16xf32, #tpu.memory_space<vmem>>, vector<1x16xf32>
    %add3A_48 = vector.broadcast %get3A_47 : vector<1x16xf32> to vector<64x16xf32>
    %add3A_49 = arith.addf %dot_general3A_44, %add3A_48 : vector<64x16xf32>
    %reduce_max3A = arith.constant dense<0xFF800000> : vector<64xf32>
    %reduce_max3A_50 = vector.multi_reduction <maximumf>, %add3A_49, %reduce_max3A [1] : vector<64x16xf32> to vector<64xf32>
    %broadcast_in_dim3A_51 = vector.shape_cast %reduce_max3A_50 : vector<64xf32> to vector<64x1xf32>
    %sub3A = vector.broadcast %broadcast_in_dim3A_51 : vector<64x1xf32> to vector<64x16xf32>
    %sub3A_52 = arith.subf %add3A_49, %sub3A : vector<64x16xf32>
    %exp3A = math.exp %sub3A_52 : vector<64x16xf32>
    %reduce_sum3A = arith.constant dense<0.000000e+00> : vector<64xf32>
    %reduce_sum3A_53 = vector.multi_reduction <add>, %exp3A, %reduce_sum3A [1] : vector<64x16xf32> to vector<64xf32>
    %broadcast_in_dim3A_54 = vector.shape_cast %reduce_sum3A_53 : vector<64xf32> to vector<64x1xf32>
    %div3A_55 = vector.broadcast %broadcast_in_dim3A_54 : vector<64x1xf32> to vector<64x16xf32>
    %div3A_56 = arith.divf %exp3A, %div3A_55 : vector<64x16xf32>
    %swap3A = arith.constant 0 : index
    %swap3A_57 = arith.constant 0 : index
    %swap3A_58 = vector.load %arg7[%swap3A, %swap3A_57] : memref<64x16xf32, #tpu.memory_space<vmem>>, vector<64x16xf32>
    tpu.vector_store %arg7[%swap3A, %swap3A_57], %div3A_56 {strides = array<i32>} : memref<64x16xf32, #tpu.memory_space<vmem>>, vector<64x16xf32>,
    return
  }
}

</mosaic_0001>

<sc_bundles>
// kernel: kernel.11.cloned.1.call-start
scs
__scs_entry_jumppad:
0x0: {  	(pc) =	sbr.rel $0x88, $3  }
0x1: {  	(tag) =	ssettag $0x0;
	lr =	simm.s32 $0x1  }
0x2: {  	[smem:$0x3F98] =	sst lr;
	_ =	strace $0xD0000000  }
0x3: {  	_ = 	snop  }
0x4: {  	_ = 	snop  }
0x5: {  	_ = 	snop  }
0x6: {  	_ = 	snop  }
0x7: {  	_ = 	snop  }
__scs_overlays_trampoline_lowered:
0x8: {  	[smem:$0x3FA7] =	sst s0  }
0x9: {  	[smem:$0x3FA8] =	sst s1  }
0xa: {  	[smem:$0x3FA9] =	sst s2  }
0xb: {  	[smem:$0x3FAA] =	sst s3  }
0xc: {  	[smem:$0x3FAB] =	sst s4  }
0xd: {  	[smem:$0x3FAC] =	sst s5  }
0xe: {  	[smem:$0x3FAD] =	sst s6  }
0xf: {  	[smem:$0x3FAE] =	sst s7  }
0x10: {  	[smem:$0x3FAF] =	sst s8  }
0x11: {  	[smem:$0x3FB0] =	sst s9;
	s0 =	simm.s32 @!p0 $0x0  }
0x12: {  	s1 =	sld [smem:$0x3F96];
	s0 =	simm.s32 @p0 $0x1  }
0x13: {  	[smem:$0x3FB1] =	sst s0;
	s0 =	simm.s32 @!p1 $0x0  }
0x14: {  	s2 =	sld [smem:$0x3F95];
	s0 =	simm.s32 @p1 $0x1  }
0x15: {  	[smem:$0x3FB2] =	sst s0;
	s0 =	simm.s32 @!p2 $0x0  }
0x16: {  	s3 =	sld [smem:$0x3FDB];
	s0 =	simm.s32 @p2 $0x1  }
0x17: {  	s4 =	simm.s32 $0x1BF5;
	[smem:$0x3FB4] =	sst s0  }
0x18: {  	s0 =	sld [smem:$0x3F97];
	_ =	swait.ge [sflag:s4], $0x0  }
0x19: {  	s7 =	sld [smem:$0x3F98]  }
0x1a: {  	s8 =	sadd.s32 $0xFFFFE003, lr  }
0x1b: {  	s9 =	sadd.s32 $0xFFFFFEF7, lr;
	s5 =	simm.s32 $0xFFFFFFFF;
	p2 =	slt.u32 s8, $0xFFFFF086  }
0x1c: {  	p1 =	slt.u32 s9, $0xF7A;
	s5 =	simm.s32 @!p2 $0x0  }
0x1d: {  	s5 =	simm.s32 @p1 $0x1;
	p0 =	seq.s32 s7, s2  }
0x1e: {  	s7 =	smul.u32 @!p0 $0xF7A, s2;
	p2 =	seq.s32 @!p0 s5, $0x0  }
0x1f: {  	s9 =	smul.u32 $0xF7A, s1;
	s8 =	simm.s32 @!p0 $0x1BF5;
	p2 =	por !p2, p0  }
0x20: {  	[sflag:s8] =	ssyncset.s32 @!p0 $0xFFFFF086;
	s6 =	sadd.s32 @!p0 s3, s7;
	s7 =	simm.s32 @!p0 $0x108  }
0x21: {  	s3 =	sadd.s32 s3, s9;
	s6 =	sadd.s32 @!p0 $0x88, s6;
	s7 =	simm.s32 @p2 $0x1082  }
0x22: {  	[simem:s7], [sflag:s8] =	dma.local @!p0 [hbm:s6], $0xF7A  }
0x23: {  	s9 =	sor.u32 $0xD0000000, s2;
	s6 =	simm.s32 $0x108;
	_ =	swait.ge @!p0 [sflag:s8], $0x0  }
0x24: {  	s3 =	sadd.s32 $0x88, s3;
	s6 =	simm.s32 @!p1 $0x1082;
	[sflag:s4] =	ssyncset.s32 $0xFFFFF086  }
0x25: {  	[simem:s6], [sflag:s4] =	dma.local [hbm:s3], $0xF7A  }
0x26: {  	[smem:$0x3F98] =	sst s1;
	(tag) =	ssettag s2;
	_ =	strace s9  }
0x27: {  	s1 =	sld [smem:$0x3FA8]  }
0x28: {  	s2 =	sld [smem:$0x3FA9]  }
0x29: {  	s4 =	sld [smem:$0x3FAB]  }
0x2a: {  	p0 =	seq.s32 s5, $0x0;
	s5 =	sld [smem:$0x3FAC]  }
0x2b: {  	s6 =	sld [smem:$0x3FAD]  }
0x2c: {  	s7 =	sld [smem:$0x3FAE]  }
0x2d: {  	s3 =	simm.s32 $0x108;
	s8 =	sld [smem:$0x3FAF]  }
0x2e: {  	s3 =	simm.s32 @!p0 $0x1082;
	s9 =	sld [smem:$0x3FB0]  }
0x2f: {  	lr =	sadd.s32 s0, s3;
	s0 =	sld [smem:$0x3FA7]  }
0x30: {  	s3 =	sld [smem:$0x3FAA]  }
0x31: {  	[smem:$0x3FB3] =	sst s10  }
0x32: {  	s10 =	sld [smem:$0x3FB1];
	_ =	sdelay $0x3  }
0x33: {  	p0 =	seq.s32 s10, $0x1;
	s10 =	sld [smem:$0x3FB3];
	_ =	sdelay $0x3  }
0x34: {  	[smem:$0x3FB3] =	sst s10  }
0x35: {  	s10 =	sld [smem:$0x3FB2];
	_ =	sdelay $0x3  }
0x36: {  	p1 =	seq.s32 s10, $0x1;
	s10 =	sld [smem:$0x3FB3];
	_ =	sdelay $0x3  }
0x37: {  	[smem:$0x3FB3] =	sst s10  }
0x38: {  	s10 =	sld [smem:$0x3FB4]  }
0x39: {  	_ = 	snop;
	(pc) =	sbr.ind lr, $3  }
0x3a: {  	_ = 	snop  }
0x3b: {  	_ = 	snop  }
0x3c: {  	p2 =	seq.s32 s10, $0x1;
	s10 =	sld [smem:$0x3FB3]  }
0x3d: {  	_ =	shalt  }
0x3e: {  	_ =	shalt  }
0x3f: {  	_ =	shalt  }
0x40: {  	_ =	shalt  }
0x41: {  	_ =	shalt  }
0x42: {  	_ =	shalt  }
0x43: {  	_ =	shalt  }
0x44: {  	_ =	shalt  }
0x45: {  	_ =	shalt  }
0x46: {  	_ =	shalt  }
0x47: {  	_ =	shalt  }
0x48: {  	_ =	shalt  }
0x49: {  	_ =	shalt  }
0x4a: {  	_ =	shalt  }
0x4b: {  	_ =	shalt  }
0x4c: {  	_ =	shalt  }
0x4d: {  	_ =	shalt  }
0x4e: {  	_ =	shalt  }
0x4f: {  	_ =	shalt  }
0x50: {  	_ =	shalt  }
0x51: {  	_ =	shalt  }
0x52: {  	_ =	shalt  }
0x53: {  	_ =	shalt  }
0x54: {  	_ =	shalt  }
0x55: {  	_ =	shalt  }
0x56: {  	_ =	shalt  }
0x57: {  	_ =	shalt  }
0x58: {  	_ =	shalt  }
0x59: {  	_ =	shalt  }
0x5a: {  	_ =	shalt  }
0x5b: {  	_ =	shalt  }
0x5c: {  	_ =	shalt  }
0x5d: {  	_ =	shalt  }
0x5e: {  	_ =	shalt  }
0x5f: {  	_ =	shalt  }
0x60: {  	_ =	shalt  }
0x61: {  	_ =	shalt  }
0x62: {  	_ =	shalt  }
0x63: {  	_ =	shalt  }
0x64: {  	_ =	shalt  }
0x65: {  	_ =	shalt  }
0x66: {  	_ =	shalt  }
0x67: {  	_ =	shalt  }
0x68: {  	_ =	shalt  }
0x69: {  	_ =	shalt  }
0x6a: {  	_ =	shalt  }
0x6b: {  	_ =	shalt  }
0x6c: {  	_ =	shalt  }
0x6d: {  	_ =	shalt  }
0x6e: {  	_ =	shalt  }
0x6f: {  	_ =	shalt  }
0x70: {  	_ =	shalt  }
0x71: {  	_ =	shalt  }
0x72: {  	_ =	shalt  }
0x73: {  	_ =	shalt  }
0x74: {  	_ =	shalt  }
0x75: {  	_ =	shalt  }
0x76: {  	_ =	shalt  }
0x77: {  	_ =	shalt  }
0x78: {  	_ =	shalt  }
0x79: {  	_ =	shalt  }
0x7a: {  	_ =	shalt  }
0x7b: {  	_ =	shalt  }
0x7c: {  	_ =	shalt  }
0x7d: {  	_ =	shalt  }
0x7e: {  	_ =	shalt  }
0x7f: {  	_ =	shalt  }
0x80: {  	_ =	shalt  }
0x81: {  	_ =	shalt  }
0x82: {  	_ =	shalt  }
0x83: {  	_ =	shalt  }
0x84: {  	_ =	shalt  }
0x85: {  	_ =	shalt  }
0x86: {  	_ =	shalt  }
0x87: {  	_ =	shalt  }
.Lfunc_end0:
.L_simem_size_0:
called_computation.1_lowered:
.L_overlay_start_0:
0x88: {  	s2 =	sld [smem:$0x3FD9]  }
0x89: {  	s3 =	sld [smem:$0x3FFE];
	_ =	sdelay $0x1  }
0x8a: {  	s1 =	srdreg.scid  }
0x8b: {  	s0 =	sand.u32 $0x1, s1  }
0x8c: {  	s16 =	sshll.u32 s0, $0xA;
	s2 =	sadd.s32 s3, s2  }
0x8d: {  	s2 =	sadd.s32 s2, s16  }
0x8e: {  	[smem:$0x3FBF] =	sst s2  }
0x8f: {  	_ = 	snop  }
0x90: {  	(tm) =	ssettm $0x1  }
0x91: {  	s17 =	sld [smem:$0x3FFB];
	_ =	sdelay $0x3  }
0x92: {  	_ =	strace s17  }
0x93: {  	s2 =	sld [smem:$0x3FFC];
	_ =	sdelay $0x3  }
0x94: {  	_ =	strace s2  }
0x95: {  	s2 =	sld [smem:$0x3FFD];
	_ =	sdelay $0x3  }
0x96: {  	_ =	strace s2  }
0x97: {  	_ =	strace $0x8FFFFFFF  }
0x98: {  	s18 =	sld [smem:$0x3FDB];
	_ =	sdelay $0x1  }
0x99: {  	s19 =	simm.s32 $_scs_section_size  }
0x9a: {  	s4 =	simm.s32 $_size__tile_overlayer_lowered;
	s5 =	simm.s32 $_tile_overlayer_lowered  }
0x9b: {  	s22 =	simm.s32 $0x1BFF;
	s21 =	sshll.u32 s5, $0x1;
	s2 =	sadd.s32 s19, s18  }
0x9c: {  	s6 =	simm.s32 $0x0;
	s20 =	sshll.u32 s4, $0x1;
	s4 =	sadd.s32 s21, s2  }
0x9d: {  	[timem:s6], [sflag:s22] =	dma.local [hbm:s4], s20  }
0x9e: {  	_ =	swait.ge [sflag:s22], s20  }
0x9f: {  	s3 =	ssub.s32 $0x0, s20;
	[sflag:s22] =	ssyncset.done $0x0  }
0xa0: {  	[sflag:s22] =	ssyncadd.s32 s3;
	_ =	sdelay $0x1  }
0xa1: {  	s23 =	simm.s32 $0x1B8B  }
0xa2: {  	_ =	swait.ge [sflag:s23], $0x1  }
0xa3: {  	[sflag:s23] =	ssyncset.done $0x0  }
0xa4: {  	s25 =	simm.s32 $0x1B8E;
	s24 =	sld [smem:$0x3FFE];
	[sflag:s23] =	ssyncadd.s32 $0xFFFFFFFF  }
0xa5: {  	s26 =	simm.s32 $execute0_lowered;
	[smem:$0x3FD2] =	sst s25  }
0xa6: {  	s4 =	sshll.u32 s26, $0x1;
	_ =	strace $0x80000049;
	[dreg:$0x1] =	wrdreg $0xFFFFFFFF  }
0xa7: {  	s28 =	simm.s32 $_size_execute0_lowered;
	s2 =	sadd.s32 s2, s4;
	[dreg:$0x0] =	wrdreg $0x0  }
0xa8: {  	s4 =	sshll.u32 s28, $0x1;
	[dreg:$0x2] =	wrdreg s2  }
0xa9: {  	[dreg:$0x3] =	wrdreg s4  }
0xaa: {  	[dreg:$0x4] =	wrdreg $0xC0  }
0xab: {  	_ =	task [dreg:s6], $0x5FFFF  }
0xac: {  	[dreg:$0x1] =	wrdreg $0xFFFFFFFF  }
0xad: {  	[dreg:$0x0] =	wrdreg $0x60  }
0xae: {  	[dreg:$0x2] =	wrdreg s24  }
0xaf: {  	[dreg:$0x3] =	wrdreg $0xB3000  }
0xb0: {  	[dreg:$0x4] =	wrdreg $0x9  }
0xb1: {  	_ =	task.clear_ibuf [dreg:s6], $0x5FFFF;
	_ =	strace $0x90000049  }
0xb2: {  	s29 =	simm.s32 $0x9;
	_ =	strace $0x8000004B  }
0xb3: {  	_ =	swait.ge [sflag:s29], $0x1  }
0xb4: {  	[sflag:s29] =	ssyncadd.s32 $0xFFFFFFFF  }
0xb5: {  	_ =	strace $0x9000004B  }
0xb6: {  	_ =	sfence  }
0xb7: {  	s30 =	sld [smem:$0x0];
	_ =	sdelay $0x2  }
0xb8: {  	s31 =	sshll.u32 s1, $0xD;
	s1 =	sshrl.u32 s1, $0x2  }
0xb9: {  	s3 =	sand.u32 $0x4000, s31;
	s1 =	sadd.s32 s1, s30  }
0xba: {  	s0 =	sor.u32 s3, s0;
	s1 =	sshll.u32 s1, $0x11  }
0xbb: {  	s0 =	sor.u32 s1, s0  }
0xbc: {  	s0 =	sadd.s32 $0x8F2B, s0  }
0xbd: {  	[sflag:s0] =	ssyncadd.remote.s32 $0x1  }
0xbe: {  	_ =	sfence.sel $0xFFFF  }
0xbf: {  	[dreg:$0x0] =	wrdreg $0xFFFFFFFF;
	(pc) =	sbr.abs _section_cstart, $3  }
0xc0: {  	[dreg:$0x1] =	wrdreg $0xFFFFFFFF  }
0xc1: {  	_ =	task.clear_ibuf [dreg:s6], $0x2FFFF;
	_ =	strace $0x9FFFFFFF  }
0xc2: {  	(tm) =	ssettm $0x7FFFFFFF  }
0xc3: {  	_ =	shalt  }
tec
execute0_lowered:
.L_overlay_start_1:
0x0: {  	(tag) =	ssettag $0x1  }
0x1: {  	s0 =	srdreg.scid;
	s1 =	rddreg [dreg:$0x0]  }
0x2: {  	s11 =	stileid.u32;
	s2 =	rddreg [dreg:$0x1]  }
0x3: {  	s14 =	simm.s32 $0x28;
	s15 =	simm.s32 $0x4F00;
	s16 =	simm.s32 $0x6300  }
0x4: {  	s18 =	simm.s32 $0x7700;
	s20 =	simm.s32 $0x8B00;
	s22 =	simm.s32 $0x9F00  }
0x5: {  	s29 =	simm.s32 $0x4;
	s31 =	simm.s32 $0x5;
	s17 =	simm.s32 $0x7  }
0x6: {  	s19 =	simm.s32 $0x8;
	s21 =	simm.s32 $0x9;
	s6 =	smul.u32 $0x2800, s11  }
0x7: {  	s28 =	simm.s32 $0x0;
	s0 =	sand.u32 $0x1, s0;
	s9 =	smul.u32 $0x50000, s11  }
0x8: {  	s30 =	sshll.u32 s11, $0x6;
	s3 =	sshll.u32 s0, $0x4;
	s7 =	smul.u32 $0x28000, s0  }
0x9: {  	s0 =	ssub.s32 $0x2, s0;
	s12 =	sor.u32 $0x1C0B, s30;
	s4 =	sor.u32 s11, s3  }
0xa: {  	s3 =	simm.s32 $0x0;
	s24 =	sshrl.u32 s0, $0x1;
	s10 =	sadd.s32 s6, s1  }
0xb: {  	s26 =	sshrl.u32 s9, $0x2;
	s11 =	simm.s32 $0x2780;
	s5 =	smul.u32 $0x4E2, s4  }
0xc: {  	[smem:$0x7FF] =	sst s3;
	s4 =	sadd.s32 $0x8EA00, s1;
	s23 =	sadd.s32 s6, s7  }
0xd: {  	s0 =	ssub.s32 s0, s24;
	s13 =	sadd.s32 s26, s2;
	s7 =	sadd.s32 $0x16400, s10  }
0xe: {  	s10 =	simm.s32 $0xB;
	s24 =	simm.s32 $0x2;
	s26 =	simm.s32 $0x3  }
0xf: {  	_ =	strace $0x8000004A;
	s9 =	smax.u32 s0, $0x1;
	s13 =	sshrl.u32 s13, $0x3  }
0x10: {  	s0 =	simm.s32 $0x6;
	s8 =	sadd.s32 s5, s1;
	s1 =	sadd.s32 s23, s1  }
0x11: {  	s23 =	simm.s32 $0x1;
	s25 =	sadd.s32 $0x2800, s8;
	s6 =	sadd.s32 $0xC600, s8  }
0x12: {  	s8 =	sadd.s32 $0xB5C00, s1;
	[dreg:$0x3] =	wrdreg s25;
	s25 =	simm.s32 $0xA  }
.LBB2_1:
0x13: {  	s1 =	rddreg [dreg:$0x3]  }
0x14: {  	[tilespmem:s3], [sflag:$0xB] =	stream.linear.gather [hbm4b:s1+s3], $0x2710, $0x38;
	[tilespmem:$0x1F300] =	vst v63  }
0x15: {  	_ =	swait.ge [sflag:s10], $0x2710  }
0x16: {  	[sflag:s10] =	ssyncset.done $0x0  }
0x17: {  	[sflag:s10] =	ssyncadd.s32 $0xFFFFD8F0  }
0x18: {  	[tilespmem:s11], [sflag:$0xB] =	stream.linear.gather [hbm4b:s6+s3], $0x2710, $0x38;
	[tilespmem:$0x1F300] =	vst v63  }
0x19: {  	_ =	swait.ge [sflag:s10], $0x2710  }
0x1a: {  	[sflag:s10] =	ssyncset.done $0x0  }
0x1b: {  	[sflag:s10] =	ssyncadd.s32 $0xFFFFD8F0  }
0x1c: {  	[spmem:s13], [sflag:s12] =	dma.local [hbm:s7], $0x2800  }
0x1d: {  	_ =	swait.ge [sflag:s10], $0x2800  }
0x1e: {  	[sflag:s10] =	ssyncset.done $0x0  }
0x1f: {  	[sflag:s10] =	ssyncadd.s32 $0xFFFFD800  }
0x20: {  	[bflag:$0x0] =	sbarrier.arrive $0xFFFF  }
0x21: {  	[tilespmem:s15], [sflag:$0x1] =	stream.indirect.gather [hbm4b:s4+s14], $0x80, s3, s14, $0xb8;
	[tilespmem:$0x1F300] =	vst v63  }
0x22: {  	_ = 	snop  }
0x23: {  	[tilespmem:s16], [sflag:$0x2] =	stream.indirect.gather [hbm4b:s4+s14], $0x80, s14, s14, $0xb8;
	[tilespmem:$0x1F300] =	vst v63  }
0x24: {  	s5 =	simm.s32 $0x50  }
0x25: {  	[tilespmem:s18], [sflag:$0x3] =	stream.indirect.gather [hbm4b:s4+s14], $0x80, s5, s14, $0xb8;
	[tilespmem:$0x1F300] =	vst v63  }
0x26: {  	s5 =	simm.s32 $0x78  }
0x27: {  	[tilespmem:s20], [sflag:$0x4] =	stream.indirect.gather [hbm4b:s4+s14], $0x80, s5, s14, $0xb8;
	[tilespmem:$0x1F300] =	vst v63  }
0x28: {  	s5 =	simm.s32 $0xA0  }
0x29: {  	[tilespmem:s22], [sflag:$0x5] =	stream.indirect.gather [hbm4b:s4+s14], $0x80, s5, s14, $0xb8;
	[tilespmem:$0x1F300] =	vst v63  }
0x2a: {  	_ =	swait.ge [sflag:s23], $0x1400  }
0x2b: {  	[sflag:s23] =	ssyncset.done $0x0  }
0x2c: {  	[sflag:s23] =	ssyncadd.s32 $0xFFFFEC00  }
0x2d: {  	[spmem:s2] =	stream.indirect.scatter.add.f32 [tilespmem:s15], [sflag:$0x6], $0x80, s11, s14, $0xb8;
	[tilespmem:$0x1F300] =	vst v63  }
0x2e: {  	_ =	swait.ge [sflag:s24], $0x1400  }
0x2f: {  	[sflag:s24] =	ssyncset.done $0x0  }
0x30: {  	s5 =	simm.s32 $0x27A8;
	[sflag:s24] =	ssyncadd.s32 $0xFFFFEC00  }
0x31: {  	[spmem:s2] =	stream.indirect.scatter.add.f32 [tilespmem:s16], [sflag:$0x7], $0x80, s5, s14, $0xb8;
	[tilespmem:$0x1F300] =	vst v63  }
0x32: {  	_ =	swait.ge [sflag:s26], $0x1400  }
0x33: {  	[sflag:s26] =	ssyncset.done $0x0  }
0x34: {  	s5 =	simm.s32 $0x27D0;
	[sflag:s26] =	ssyncadd.s32 $0xFFFFEC00  }
0x35: {  	[spmem:s2] =	stream.indirect.scatter.add.f32 [tilespmem:s18], [sflag:$0x8], $0x80, s5, s14, $0xb8;
	[tilespmem:$0x1F300] =	vst v63  }
0x36: {  	_ =	swait.ge [sflag:s29], $0x1400  }
0x37: {  	[sflag:s29] =	ssyncset.done $0x0  }
0x38: {  	s5 =	simm.s32 $0x27F8;
	[sflag:s29] =	ssyncadd.s32 $0xFFFFEC00  }
0x39: {  	[spmem:s2] =	stream.indirect.scatter.add.f32 [tilespmem:s20], [sflag:$0x9], $0x80, s5, s14, $0xb8;
	[tilespmem:$0x1F300] =	vst v63  }
0x3a: {  	_ =	swait.ge [sflag:s31], $0x1400  }
0x3b: {  	[sflag:s31] =	ssyncset.done $0x0  }
0x3c: {  	s5 =	simm.s32 $0x2820;
	[sflag:s31] =	ssyncadd.s32 $0xFFFFEC00  }
0x3d: {  	[spmem:s2] =	stream.indirect.scatter.add.f32 [tilespmem:s22], [sflag:$0xA], $0x80, s5, s14, $0xb8;
	[tilespmem:$0x1F300] =	vst v63  }
0x3e: {  	_ =	swait.ge [sflag:s0], $0x1400  }
0x3f: {  	[sflag:s0] =	ssyncset.done $0x0  }
0x40: {  	s5 =	simm.s32 $0xC8;
	[sflag:s0] =	ssyncadd.s32 $0xFFFFEC00  }
0x41: {  	[tilespmem:s15], [sflag:$0x1] =	stream.indirect.gather [hbm4b:s4+s14], $0x80, s5, s14, $0xb8;
	[tilespmem:$0x1F300] =	vst v63  }
0x42: {  	_ =	swait.ge [sflag:s17], $0x1400  }
0x43: {  	[sflag:s17] =	ssyncset.done $0x0  }
0x44: {  	s5 =	simm.s32 $0xF0;
	[sflag:s17] =	ssyncadd.s32 $0xFFFFEC00  }
0x45: {  	[tilespmem:s16], [sflag:$0x2] =	stream.indirect.gather [hbm4b:s4+s14], $0x80, s5, s14, $0xb8;
	[tilespmem:$0x1F300] =	vst v63  }
0x46: {  	_ =	swait.ge [sflag:s19], $0x1400  }
0x47: {  	[sflag:s19] =	ssyncset.done $0x0  }
0x48: {  	s5 =	simm.s32 $0x118;
	[sflag:s19] =	ssyncadd.s32 $0xFFFFEC00  }
0x49: {  	[tilespmem:s18], [sflag:$0x3] =	stream.indirect.gather [hbm4b:s4+s14], $0x80, s5, s14, $0xb8;
	[tilespmem:$0x1F300] =	vst v63  }
0x4a: {  	_ =	swait.ge [sflag:s21], $0x1400  }
0x4b: {  	[sflag:s21] =	ssyncset.done $0x0  }
0x4c: {  	s5 =	simm.s32 $0x140;
	[sflag:s21] =	ssyncadd.s32 $0xFFFFEC00  }
0x4d: {  	[tilespmem:s20], [sflag:$0x4] =	stream.indirect.gather [hbm4b:s4+s14], $0x80, s5, s14, $0xb8;
	[tilespmem:$0x1F300] =	vst v63  }
0x4e: {  	_ =	swait.ge [sflag:s25], $0x1400  }
0x4f: {  	[sflag:s25] =	ssyncset.done $0x0  }
0x50: {  	s5 =	simm.s32 $0x168;
	[sflag:s25] =	ssyncadd.s32 $0xFFFFEC00  }
0x51: {  	[tilespmem:s22], [sflag:$0x5] =	stream.indirect.gather [hbm4b:s4+s14], $0x80, s5, s14, $0xb8;
	[tilespmem:$0x1F300] =	vst v63  }
0x52: {  	_ =	swait.ge [sflag:s23], $0x1400  }
0x53: {  	[sflag:s23] =	ssyncset.done $0x0  }
0x54: {  	s5 =	simm.s32 $0x2848;
	[sflag:s23] =	ssyncadd.s32 $0xFFFFEC00  }
0x55: {  	[spmem:s2] =	stream.indirect.scatter.add.f32 [tilespmem:s15], [sflag:$0x6], $0x80, s5, s14, $0xb8;
	[tilespmem:$0x1F300] =	vst v63  }
0x56: {  	_ =	swait.ge [sflag:s24], $0x1400  }
0x57: {  	[sflag:s24] =	ssyncset.done $0x0  }
0x58: {  	s5 =	simm.s32 $0x2870;
	[sflag:s24] =	ssyncadd.s32 $0xFFFFEC00  }
0x59: {  	[spmem:s2] =	stream.indirect.scatter.add.f32 [tilespmem:s16], [sflag:$0x7], $0x80, s5, s14, $0xb8;
	[tilespmem:$0x1F300] =	vst v63  }
0x5a: {  	_ =	swait.ge [sflag:s26], $0x1400  }
0x5b: {  	[sflag:s26] =	ssyncset.done $0x0  }
0x5c: {  	s5 =	simm.s32 $0x2898;
	[sflag:s26] =	ssyncadd.s32 $0xFFFFEC00  }
0x5d: {  	[spmem:s2] =	stream.indirect.scatter.add.f32 [tilespmem:s18], [sflag:$0x8], $0x80, s5, s14, $0xb8;
	[tilespmem:$0x1F300] =	vst v63  }
0x5e: {  	_ =	swait.ge [sflag:s29], $0x1400  }
0x5f: {  	[sflag:s29] =	ssyncset.done $0x0  }
0x60: {  	s5 =	simm.s32 $0x28C0;
	[sflag:s29] =	ssyncadd.s32 $0xFFFFEC00  }
0x61: {  	[spmem:s2] =	stream.indirect.scatter.add.f32 [tilespmem:s20], [sflag:$0x9], $0x80, s5, s14, $0xb8;
	[tilespmem:$0x1F300] =	vst v63  }
0x62: {  	_ =	swait.ge [sflag:s31], $0x1400  }
0x63: {  	[sflag:s31] =	ssyncset.done $0x0  }
0x64: {  	s30 =	simm.s32 $0x320;
	s1 =	simm.s32 $0x28E8;
	[sflag:s31] =	ssyncadd.s32 $0xFFFFEC00  }
.LBB2_2:
0x65: {  	[spmem:s2] =	stream.indirect.scatter.add.f32 [tilespmem:s22], [sflag:$0xA], $0x80, s1, s14, $0xb8;
	[tilespmem:$0x1F300] =	vst v63  }
0x66: {  	s1 =	smov.u32 s30  }
0x67: {  	p0 =	sne.s32 s30, $0x9600;
	s30 =	sadd.s32 $0x320, s30;
	_ =	swait.ge [sflag:s0], $0x1400  }
0x68: {  	s1 =	sshra.s32 s1, $0x2;
	[sflag:s0] =	ssyncset.done $0x0  }
0x69: {  	s5 =	sadd.s32 $0xC8, s1;
	[sflag:s0] =	ssyncadd.s32 $0xFFFFEC00  }
0x6a: {  	[tilespmem:s15], [sflag:$0x1] =	stream.indirect.gather [hbm4b:s4+s14], $0x80, s5, s14, $0xb8;
	[tilespmem:$0x1F300] =	vst v63  }
0x6b: {  	_ =	swait.ge [sflag:s17], $0x1400  }
0x6c: {  	[sflag:s17] =	ssyncset.done $0x0  }
0x6d: {  	s5 =	sadd.s32 $0xF0, s1;
	[sflag:s17] =	ssyncadd.s32 $0xFFFFEC00  }
0x6e: {  	[tilespmem:s16], [sflag:$0x2] =	stream.indirect.gather [hbm4b:s4+s14], $0x80, s5, s14, $0xb8;
	[tilespmem:$0x1F300] =	vst v63  }
0x6f: {  	_ =	swait.ge [sflag:s19], $0x1400  }
0x70: {  	[sflag:s19] =	ssyncset.done $0x0  }
0x71: {  	s5 =	sadd.s32 $0x118, s1;
	[sflag:s19] =	ssyncadd.s32 $0xFFFFEC00  }
0x72: {  	[tilespmem:s18], [sflag:$0x3] =	stream.indirect.gather [hbm4b:s4+s14], $0x80, s5, s14, $0xb8;
	[tilespmem:$0x1F300] =	vst v63  }
0x73: {  	_ =	swait.ge [sflag:s21], $0x1400  }
0x74: {  	[sflag:s21] =	ssyncset.done $0x0  }
0x75: {  	s5 =	sadd.s32 $0x140, s1;
	[sflag:s21] =	ssyncadd.s32 $0xFFFFEC00  }
0x76: {  	[tilespmem:s20], [sflag:$0x4] =	stream.indirect.gather [hbm4b:s4+s14], $0x80, s5, s14, $0xb8;
	[tilespmem:$0x1F300] =	vst v63  }
0x77: {  	_ =	swait.ge [sflag:s25], $0x1400  }
0x78: {  	[sflag:s25] =	ssyncset.done $0x0  }
0x79: {  	s5 =	sadd.s32 $0x168, s1;
	[sflag:s25] =	ssyncadd.s32 $0xFFFFEC00  }
0x7a: {  	[tilespmem:s22], [sflag:$0x5] =	stream.indirect.gather [hbm4b:s4+s14], $0x80, s5, s14, $0xb8;
	[tilespmem:$0x1F300] =	vst v63  }
0x7b: {  	_ =	swait.ge [sflag:s23], $0x1400  }
0x7c: {  	[sflag:s23] =	ssyncset.done $0x0  }
0x7d: {  	s5 =	sadd.s32 $0x2848, s1;
	[sflag:s23] =	ssyncadd.s32 $0xFFFFEC00  }
0x7e: {  	[spmem:s2] =	stream.indirect.scatter.add.f32 [tilespmem:s15], [sflag:$0x6], $0x80, s5, s14, $0xb8;
	[tilespmem:$0x1F300] =	vst v63  }
0x7f: {  	_ =	swait.ge [sflag:s24], $0x1400  }
0x80: {  	[sflag:s24] =	ssyncset.done $0x0  }
0x81: {  	s5 =	sadd.s32 $0x2870, s1;
	[sflag:s24] =	ssyncadd.s32 $0xFFFFEC00  }
0x82: {  	[spmem:s2] =	stream.indirect.scatter.add.f32 [tilespmem:s16], [sflag:$0x7], $0x80, s5, s14, $0xb8;
	[tilespmem:$0x1F300] =	vst v63  }
0x83: {  	_ =	swait.ge [sflag:s26], $0x1400  }
0x84: {  	[sflag:s26] =	ssyncset.done $0x0  }
0x85: {  	s5 =	sadd.s32 $0x2898, s1;
	[sflag:s26] =	ssyncadd.s32 $0xFFFFEC00  }
0x86: {  	[spmem:s2] =	stream.indirect.scatter.add.f32 [tilespmem:s18], [sflag:$0x8], $0x80, s5, s14, $0xb8;
	[tilespmem:$0x1F300] =	vst v63  }
0x87: {  	_ =	swait.ge [sflag:s29], $0x1400  }
0x88: {  	[sflag:s29] =	ssyncset.done $0x0  }
.Ltmp0:
0x89: {  	s5 =	sadd.s32 $0x28C0, s1;
	[sflag:s29] =	ssyncadd.s32 $0xFFFFEC00;
	(pc) =	sbr.rel @p0 .LBB2_2-.Ltmp0, $4  }
0x8a: {  	[spmem:s2] =	stream.indirect.scatter.add.f32 [tilespmem:s20], [sflag:$0x9], $0x80, s5, s14, $0xb8;
	[tilespmem:$0x1F300] =	vst v63  }
0x8b: {  	_ =	swait.ge [sflag:s31], $0x1400  }
0x8c: {  	[sflag:s31] =	ssyncset.done $0x0  }
0x8d: {  	s1 =	sadd.s32 $0x28E8, s1;
	[sflag:s31] =	ssyncadd.s32 $0xFFFFEC00  }
0x8e: {  	[spmem:s2] =	stream.indirect.scatter.add.f32 [tilespmem:s22], [sflag:$0xA], $0x80, s1, s14, $0xb8;
	[tilespmem:$0x1F300] =	vst v63  }
0x8f: {  	_ =	swait.ge [sflag:s0], $0x1400  }
0x90: {  	[sflag:s0] =	ssyncset.done $0x0  }
0x91: {  	[sflag:s0] =	ssyncadd.s32 $0xFFFFEC00  }
0x92: {  	_ =	swait.ge [sflag:s17], $0x1400  }
0x93: {  	[sflag:s17] =	ssyncset.done $0x0  }
0x94: {  	[sflag:s17] =	ssyncadd.s32 $0xFFFFEC00  }
0x95: {  	_ =	swait.ge [sflag:s19], $0x1400  }
0x96: {  	[sflag:s19] =	ssyncset.done $0x0  }
0x97: {  	[sflag:s19] =	ssyncadd.s32 $0xFFFFEC00  }
0x98: {  	_ =	swait.ge [sflag:s21], $0x1400  }
0x99: {  	[sflag:s21] =	ssyncset.done $0x0  }
0x9a: {  	[sflag:s21] =	ssyncadd.s32 $0xFFFFEC00  }
0x9b: {  	_ =	swait.ge [sflag:s25], $0x1400  }
0x9c: {  	s28 =	sadd.s32 $0x1, s28;
	[sflag:s25] =	ssyncset.done $0x0  }
0x9d: {  	p0 =	sne.s32 s28, s9;
	[sflag:s25] =	ssyncadd.s32 $0xFFFFEC00  }
.Ltmp1:
0x9e: {  	[bflag:$0x0] =	sbarrier.arrive $0xFFFF;
	(pc) =	sbr.rel @p0 .LBB2_1-.Ltmp1, $4  }
0x9f: {  	[hbm:s8], [sflag:s12] =	dma.local [spmem:s13], $0x2800  }
0xa0: {  	_ =	swait.ge [sflag:s10], $0x2800  }
0xa1: {  	[sflag:s10] =	ssyncset.done $0x0  }
0xa2: {  	[sflag:s10] =	ssyncadd.s32 $0xFFFFD800  }
0xa3: {  	_ =	sfence.sel $0x180000  }
0xa4: {  	[bflag:$0x0] =	sbarrier.arrive $0xFFFF  }
0xa5: {  	_ =	strace $0x9000004A  }
0xa6: {  	s0 =	stileid.u32;
	[bflag:$0x2] =	sbarrier.arrive $0xFFFF  }
0xa7: {  	p0 =	sne.s32 s0, $0x0;
	s0 =	rddreg [dreg:$0x2]  }
0xa8: {  	s0 =	sadd.s32 @!p0 $0x100000, s0  }
0xa9: {  	[sflag:s0] =	ssyncadd.tile.s32 @!p0 $0x1;
	_ =	shalt  }
.Lfunc_end2:
_tile_overlayer_lowered:
.L_overlay_start_2:
0xaa: {  	(tag) =	ssettag $0x2  }
0xab: {  	s0 =	rddreg [dreg:$0x0];
	s2 =	stileid.u32  }
0xac: {  	s1 =	rddreg [dreg:$0x1];
	p0 =	sne.s32 s2, $0x0  }
0xad: {  	s3 =	rddreg [dreg:$0x2];
	[bflag:$0x3] =	sbarrier.arrive $0xFFFF;
	s2 =	simm.s32 @!p0 $0x1C0B  }
0xae: {  	[timem:s3], [sflag:s2] =	dma.local @!p0 [hbm:s0], s1  }
0xaf: {  	s0 =	simm.s32 @!p0 $0xB  }
0xb0: {  	_ =	swait.ge @!p0 [sflag:s0], s1  }
0xb1: {  	s1 =	ssub.s32 @!p0 $0x0, s1;
	[sflag:s0] =	ssyncset.done @!p0 $0x0  }
0xb2: {  	[sflag:s0] =	ssyncadd.s32 @!p0 s1  }
0xb3: {  	[bflag:$0x3] =	sbarrier.arrive $0xFFFF  }
0xb4: {  	_ =	shalt  }

// kernel: kernel.14.cloned.1.call-start
scs
__scs_entry_jumppad:
0x0: {  	(pc) =	sbr.rel $0x88, $3  }
0x1: {  	(tag) =	ssettag $0x0;
	lr =	simm.s32 $0x1  }
0x2: {  	[smem:$0x3F98] =	sst lr;
	_ =	strace $0xD0000000  }
0x3: {  	_ = 	snop  }
0x4: {  	_ = 	snop  }
0x5: {  	_ = 	snop  }
0x6: {  	_ = 	snop  }
0x7: {  	_ = 	snop  }
__scs_overlays_trampoline_lowered:
0x8: {  	[smem:$0x3FA7] =	sst s0  }
0x9: {  	[smem:$0x3FA8] =	sst s1  }
0xa: {  	[smem:$0x3FA9] =	sst s2  }
0xb: {  	[smem:$0x3FAA] =	sst s3  }
0xc: {  	[smem:$0x3FAB] =	sst s4  }
0xd: {  	[smem:$0x3FAC] =	sst s5  }
0xe: {  	[smem:$0x3FAD] =	sst s6  }
0xf: {  	[smem:$0x3FAE] =	sst s7  }
0x10: {  	[smem:$0x3FAF] =	sst s8  }
0x11: {  	[smem:$0x3FB0] =	sst s9;
	s0 =	simm.s32 @!p0 $0x0  }
0x12: {  	s1 =	sld [smem:$0x3F96];
	s0 =	simm.s32 @p0 $0x1  }
0x13: {  	[smem:$0x3FB1] =	sst s0;
	s0 =	simm.s32 @!p1 $0x0  }
0x14: {  	s2 =	sld [smem:$0x3F95];
	s0 =	simm.s32 @p1 $0x1  }
0x15: {  	[smem:$0x3FB2] =	sst s0;
	s0 =	simm.s32 @!p2 $0x0  }
0x16: {  	s3 =	sld [smem:$0x3FDB];
	s0 =	simm.s32 @p2 $0x1  }
0x17: {  	s4 =	simm.s32 $0x1BF5;
	[smem:$0x3FB4] =	sst s0  }
0x18: {  	s0 =	sld [smem:$0x3F97];
	_ =	swait.ge [sflag:s4], $0x0  }
0x19: {  	s7 =	sld [smem:$0x3F98]  }
0x1a: {  	s8 =	sadd.s32 $0xFFFFE003, lr  }
0x1b: {  	s9 =	sadd.s32 $0xFFFFFEF7, lr;
	s5 =	simm.s32 $0xFFFFFFFF;
	p2 =	slt.u32 s8, $0xFFFFF086  }
0x1c: {  	p1 =	slt.u32 s9, $0xF7A;
	s5 =	simm.s32 @!p2 $0x0  }
0x1d: {  	s5 =	simm.s32 @p1 $0x1;
	p0 =	seq.s32 s7, s2  }
0x1e: {  	s7 =	smul.u32 @!p0 $0xF7A, s2;
	p2 =	seq.s32 @!p0 s5, $0x0  }
0x1f: {  	s9 =	smul.u32 $0xF7A, s1;
	s8 =	simm.s32 @!p0 $0x1BF5;
	p2 =	por !p2, p0  }
0x20: {  	[sflag:s8] =	ssyncset.s32 @!p0 $0xFFFFF086;
	s6 =	sadd.s32 @!p0 s3, s7;
	s7 =	simm.s32 @!p0 $0x108  }
0x21: {  	s3 =	sadd.s32 s3, s9;
	s6 =	sadd.s32 @!p0 $0x88, s6;
	s7 =	simm.s32 @p2 $0x1082  }
0x22: {  	[simem:s7], [sflag:s8] =	dma.local @!p0 [hbm:s6], $0xF7A  }
0x23: {  	s9 =	sor.u32 $0xD0000000, s2;
	s6 =	simm.s32 $0x108;
	_ =	swait.ge @!p0 [sflag:s8], $0x0  }
0x24: {  	s3 =	sadd.s32 $0x88, s3;
	s6 =	simm.s32 @!p1 $0x1082;
	[sflag:s4] =	ssyncset.s32 $0xFFFFF086  }
0x25: {  	[simem:s6], [sflag:s4] =	dma.local [hbm:s3], $0xF7A  }
0x26: {  	[smem:$0x3F98] =	sst s1;
	(tag) =	ssettag s2;
	_ =	strace s9  }
0x27: {  	s1 =	sld [smem:$0x3FA8]  }
0x28: {  	s2 =	sld [smem:$0x3FA9]  }
0x29: {  	s4 =	sld [smem:$0x3FAB]  }
0x2a: {  	p0 =	seq.s32 s5, $0x0;
	s5 =	sld [smem:$0x3FAC]  }
0x2b: {  	s6 =	sld [smem:$0x3FAD]  }
0x2c: {  	s7 =	sld [smem:$0x3FAE]  }
0x2d: {  	s3 =	simm.s32 $0x108;
	s8 =	sld [smem:$0x3FAF]  }
0x2e: {  	s3 =	simm.s32 @!p0 $0x1082;
	s9 =	sld [smem:$0x3FB0]  }
0x2f: {  	lr =	sadd.s32 s0, s3;
	s0 =	sld [smem:$0x3FA7]  }
0x30: {  	s3 =	sld [smem:$0x3FAA]  }
0x31: {  	[smem:$0x3FB3] =	sst s10  }
0x32: {  	s10 =	sld [smem:$0x3FB1];
	_ =	sdelay $0x3  }
0x33: {  	p0 =	seq.s32 s10, $0x1;
	s10 =	sld [smem:$0x3FB3];
	_ =	sdelay $0x3  }
0x34: {  	[smem:$0x3FB3] =	sst s10  }
0x35: {  	s10 =	sld [smem:$0x3FB2];
	_ =	sdelay $0x3  }
0x36: {  	p1 =	seq.s32 s10, $0x1;
	s10 =	sld [smem:$0x3FB3];
	_ =	sdelay $0x3  }
0x37: {  	[smem:$0x3FB3] =	sst s10  }
0x38: {  	s10 =	sld [smem:$0x3FB4]  }
0x39: {  	_ = 	snop;
	(pc) =	sbr.ind lr, $3  }
0x3a: {  	_ = 	snop  }
0x3b: {  	_ = 	snop  }
0x3c: {  	p2 =	seq.s32 s10, $0x1;
	s10 =	sld [smem:$0x3FB3]  }
0x3d: {  	_ =	shalt  }
0x3e: {  	_ =	shalt  }
0x3f: {  	_ =	shalt  }
0x40: {  	_ =	shalt  }
0x41: {  	_ =	shalt  }
0x42: {  	_ =	shalt  }
0x43: {  	_ =	shalt  }
0x44: {  	_ =	shalt  }
0x45: {  	_ =	shalt  }
0x46: {  	_ =	shalt  }
0x47: {  	_ =	shalt  }
0x48: {  	_ =	shalt  }
0x49: {  	_ =	shalt  }
0x4a: {  	_ =	shalt  }
0x4b: {  	_ =	shalt  }
0x4c: {  	_ =	shalt  }
0x4d: {  	_ =	shalt  }
0x4e: {  	_ =	shalt  }
0x4f: {  	_ =	shalt  }
0x50: {  	_ =	shalt  }
0x51: {  	_ =	shalt  }
0x52: {  	_ =	shalt  }
0x53: {  	_ =	shalt  }
0x54: {  	_ =	shalt  }
0x55: {  	_ =	shalt  }
0x56: {  	_ =	shalt  }
0x57: {  	_ =	shalt  }
0x58: {  	_ =	shalt  }
0x59: {  	_ =	shalt  }
0x5a: {  	_ =	shalt  }
0x5b: {  	_ =	shalt  }
0x5c: {  	_ =	shalt  }
0x5d: {  	_ =	shalt  }
0x5e: {  	_ =	shalt  }
0x5f: {  	_ =	shalt  }
0x60: {  	_ =	shalt  }
0x61: {  	_ =	shalt  }
0x62: {  	_ =	shalt  }
0x63: {  	_ =	shalt  }
0x64: {  	_ =	shalt  }
0x65: {  	_ =	shalt  }
0x66: {  	_ =	shalt  }
0x67: {  	_ =	shalt  }
0x68: {  	_ =	shalt  }
0x69: {  	_ =	shalt  }
0x6a: {  	_ =	shalt  }
0x6b: {  	_ =	shalt  }
0x6c: {  	_ =	shalt  }
0x6d: {  	_ =	shalt  }
0x6e: {  	_ =	shalt  }
0x6f: {  	_ =	shalt  }
0x70: {  	_ =	shalt  }
0x71: {  	_ =	shalt  }
0x72: {  	_ =	shalt  }
0x73: {  	_ =	shalt  }
0x74: {  	_ =	shalt  }
0x75: {  	_ =	shalt  }
0x76: {  	_ =	shalt  }
0x77: {  	_ =	shalt  }
0x78: {  	_ =	shalt  }
0x79: {  	_ =	shalt  }
0x7a: {  	_ =	shalt  }
0x7b: {  	_ =	shalt  }
0x7c: {  	_ =	shalt  }
0x7d: {  	_ =	shalt  }
0x7e: {  	_ =	shalt  }
0x7f: {  	_ =	shalt  }
0x80: {  	_ =	shalt  }
0x81: {  	_ =	shalt  }
0x82: {  	_ =	shalt  }
0x83: {  	_ =	shalt  }
0x84: {  	_ =	shalt  }
0x85: {  	_ =	shalt  }
0x86: {  	_ =	shalt  }
0x87: {  	_ =	shalt  }
.Lfunc_end0:
.L_simem_size_0:
called_computation.2_lowered:
.L_overlay_start_0:
0x88: {  	s2 =	sld [smem:$0x3FD9]  }
0x89: {  	s3 =	sld [smem:$0x3FFE];
	_ =	sdelay $0x1  }
0x8a: {  	s1 =	srdreg.scid  }
0x8b: {  	s0 =	sand.u32 $0x1, s1  }
0x8c: {  	s16 =	sshll.u32 s0, $0xA;
	s2 =	sadd.s32 s3, s2  }
0x8d: {  	s2 =	sadd.s32 s2, s16  }
0x8e: {  	[smem:$0x3FBF] =	sst s2  }
0x8f: {  	_ = 	snop  }
0x90: {  	(tm) =	ssettm $0x1  }
0x91: {  	s17 =	sld [smem:$0x3FFB];
	_ =	sdelay $0x3  }
0x92: {  	_ =	strace s17  }
0x93: {  	s2 =	sld [smem:$0x3FFC];
	_ =	sdelay $0x3  }
0x94: {  	_ =	strace s2  }
0x95: {  	s2 =	sld [smem:$0x3FFD];
	_ =	sdelay $0x3  }
0x96: {  	_ =	strace s2  }
0x97: {  	_ =	strace $0x8FFFFFFF  }
0x98: {  	s18 =	sld [smem:$0x3FDB];
	_ =	sdelay $0x1  }
0x99: {  	s19 =	simm.s32 $_scs_section_size  }
0x9a: {  	s4 =	simm.s32 $_size__tile_overlayer_lowered;
	s5 =	simm.s32 $_tile_overlayer_lowered  }
0x9b: {  	s22 =	simm.s32 $0x1BFF;
	s21 =	sshll.u32 s5, $0x1;
	s2 =	sadd.s32 s19, s18  }
0x9c: {  	s6 =	simm.s32 $0x0;
	s20 =	sshll.u32 s4, $0x1;
	s4 =	sadd.s32 s21, s2  }
0x9d: {  	[timem:s6], [sflag:s22] =	dma.local [hbm:s4], s20  }
0x9e: {  	_ =	swait.ge [sflag:s22], s20  }
0x9f: {  	s3 =	ssub.s32 $0x0, s20;
	[sflag:s22] =	ssyncset.done $0x0  }
0xa0: {  	[sflag:s22] =	ssyncadd.s32 s3;
	_ =	sdelay $0x1  }
0xa1: {  	s23 =	simm.s32 $0x1B8B  }
0xa2: {  	_ =	swait.ge [sflag:s23], $0x1  }
0xa3: {  	[sflag:s23] =	ssyncset.done $0x0  }
0xa4: {  	s25 =	simm.s32 $0x1B8E;
	s24 =	sld [smem:$0x3FFE];
	[sflag:s23] =	ssyncadd.s32 $0xFFFFFFFF  }
0xa5: {  	s26 =	simm.s32 $execute0_lowered;
	[smem:$0x3FD2] =	sst s25  }
0xa6: {  	s4 =	sshll.u32 s26, $0x1;
	_ =	strace $0x8000004C;
	[dreg:$0x1] =	wrdreg $0xFFFFFFFF  }
0xa7: {  	s28 =	simm.s32 $_size_execute0_lowered;
	s2 =	sadd.s32 s2, s4;
	[dreg:$0x0] =	wrdreg $0x0  }
0xa8: {  	s4 =	sshll.u32 s28, $0x1;
	[dreg:$0x2] =	wrdreg s2  }
0xa9: {  	[dreg:$0x3] =	wrdreg s4  }
0xaa: {  	[dreg:$0x4] =	wrdreg $0xC0  }
0xab: {  	_ =	task [dreg:s6], $0x5FFFF  }
0xac: {  	[dreg:$0x1] =	wrdreg $0xFFFFFFFF  }
0xad: {  	[dreg:$0x0] =	wrdreg $0x60  }
0xae: {  	[dreg:$0x2] =	wrdreg s24  }
0xaf: {  	[dreg:$0x3] =	wrdreg $0xB3000  }
0xb0: {  	[dreg:$0x4] =	wrdreg $0x9  }
0xb1: {  	_ =	task.clear_ibuf [dreg:s6], $0x5FFFF;
	_ =	strace $0x9000004C  }
0xb2: {  	s29 =	simm.s32 $0x9;
	_ =	strace $0x8000004E  }
0xb3: {  	_ =	swait.ge [sflag:s29], $0x1  }
0xb4: {  	[sflag:s29] =	ssyncadd.s32 $0xFFFFFFFF  }
0xb5: {  	_ =	strace $0x9000004E  }
0xb6: {  	_ =	sfence  }
0xb7: {  	s30 =	sld [smem:$0x0];
	_ =	sdelay $0x2  }
0xb8: {  	s31 =	sshll.u32 s1, $0xD;
	s1 =	sshrl.u32 s1, $0x2  }
0xb9: {  	s3 =	sand.u32 $0x4000, s31;
	s1 =	sadd.s32 s1, s30  }
0xba: {  	s0 =	sor.u32 s3, s0;
	s1 =	sshll.u32 s1, $0x11  }
0xbb: {  	s0 =	sor.u32 s1, s0  }
0xbc: {  	s0 =	sadd.s32 $0x8F2B, s0  }
0xbd: {  	[sflag:s0] =	ssyncadd.remote.s32 $0x1  }
0xbe: {  	_ =	sfence.sel $0xFFFF  }
0xbf: {  	[dreg:$0x0] =	wrdreg $0xFFFFFFFF;
	(pc) =	sbr.abs _section_cstart, $3  }
0xc0: {  	[dreg:$0x1] =	wrdreg $0xFFFFFFFF  }
0xc1: {  	_ =	task.clear_ibuf [dreg:s6], $0x2FFFF;
	_ =	strace $0x9FFFFFFF  }
0xc2: {  	(tm) =	ssettm $0x7FFFFFFF  }
0xc3: {  	_ =	shalt  }
tec
execute0_lowered:
.L_overlay_start_1:
0x0: {  	(tag) =	ssettag $0x1  }
0x1: {  	s0 =	srdreg.scid;
	s1 =	rddreg [dreg:$0x0]  }
0x2: {  	s11 =	stileid.u32;
	s2 =	rddreg [dreg:$0x1]  }
0x3: {  	s14 =	simm.s32 $0x28;
	s15 =	simm.s32 $0x4F00;
	s16 =	simm.s32 $0x6300  }
0x4: {  	s18 =	simm.s32 $0x7700;
	s20 =	simm.s32 $0x8B00;
	s22 =	simm.s32 $0x9F00  }
0x5: {  	s29 =	simm.s32 $0x4;
	s31 =	simm.s32 $0x5;
	s17 =	simm.s32 $0x7  }
0x6: {  	s19 =	simm.s32 $0x8;
	s21 =	simm.s32 $0x9;
	s6 =	smul.u32 $0x2800, s11  }
0x7: {  	s28 =	simm.s32 $0x0;
	s0 =	sand.u32 $0x1, s0;
	s9 =	smul.u32 $0x50000, s11  }
0x8: {  	s30 =	sshll.u32 s11, $0x6;
	s3 =	sshll.u32 s0, $0x4;
	s7 =	smul.u32 $0x28000, s0  }
0x9: {  	s0 =	ssub.s32 $0x2, s0;
	s12 =	sor.u32 $0x1C0B, s30;
	s4 =	sor.u32 s11, s3  }
0xa: {  	s3 =	simm.s32 $0x0;
	s24 =	sshrl.u32 s0, $0x1;
	s10 =	sadd.s32 s6, s1  }
0xb: {  	s26 =	sshrl.u32 s9, $0x2;
	s11 =	simm.s32 $0x2780;
	s5 =	smul.u32 $0x4E2, s4  }
0xc: {  	[smem:$0x7FF] =	sst s3;
	s4 =	sadd.s32 $0x8EA00, s1;
	s23 =	sadd.s32 s6, s7  }
0xd: {  	s0 =	ssub.s32 s0, s24;
	s13 =	sadd.s32 s26, s2;
	s7 =	sadd.s32 $0x16400, s10  }
0xe: {  	s10 =	simm.s32 $0xB;
	s24 =	simm.s32 $0x2;
	s26 =	simm.s32 $0x3  }
0xf: {  	_ =	strace $0x8000004D;
	s9 =	smax.u32 s0, $0x1;
	s13 =	sshrl.u32 s13, $0x3  }
0x10: {  	s0 =	simm.s32 $0x6;
	s8 =	sadd.s32 s5, s1;
	s1 =	sadd.s32 s23, s1  }
0x11: {  	s23 =	simm.s32 $0x1;
	s25 =	sadd.s32 $0x2800, s8;
	s6 =	sadd.s32 $0xC600, s8  }
0x12: {  	s8 =	sadd.s32 $0xB5C00, s1;
	[dreg:$0x3] =	wrdreg s25;
	s25 =	simm.s32 $0xA  }
.LBB2_1:
0x13: {  	s1 =	rddreg [dreg:$0x3]  }
0x14: {  	[tilespmem:s3], [sflag:$0xB] =	stream.linear.gather [hbm4b:s1+s3], $0x2710, $0x38;
	[tilespmem:$0x1F300] =	vst v63  }
0x15: {  	_ =	swait.ge [sflag:s10], $0x2710  }
0x16: {  	[sflag:s10] =	ssyncset.done $0x0  }
0x17: {  	[sflag:s10] =	ssyncadd.s32 $0xFFFFD8F0  }
0x18: {  	[tilespmem:s11], [sflag:$0xB] =	stream.linear.gather [hbm4b:s6+s3], $0x2710, $0x38;
	[tilespmem:$0x1F300] =	vst v63  }
0x19: {  	_ =	swait.ge [sflag:s10], $0x2710  }
0x1a: {  	[sflag:s10] =	ssyncset.done $0x0  }
0x1b: {  	[sflag:s10] =	ssyncadd.s32 $0xFFFFD8F0  }
0x1c: {  	[spmem:s13], [sflag:s12] =	dma.local [hbm:s7], $0x2800  }
0x1d: {  	_ =	swait.ge [sflag:s10], $0x2800  }
0x1e: {  	[sflag:s10] =	ssyncset.done $0x0  }
0x1f: {  	[sflag:s10] =	ssyncadd.s32 $0xFFFFD800  }
0x20: {  	[bflag:$0x0] =	sbarrier.arrive $0xFFFF  }
0x21: {  	[tilespmem:s15], [sflag:$0x1] =	stream.indirect.gather [hbm4b:s4+s14], $0x80, s3, s14, $0xb8;
	[tilespmem:$0x1F300] =	vst v63  }
0x22: {  	_ = 	snop  }
0x23: {  	[tilespmem:s16], [sflag:$0x2] =	stream.indirect.gather [hbm4b:s4+s14], $0x80, s14, s14, $0xb8;
	[tilespmem:$0x1F300] =	vst v63  }
0x24: {  	s5 =	simm.s32 $0x50  }
0x25: {  	[tilespmem:s18], [sflag:$0x3] =	stream.indirect.gather [hbm4b:s4+s14], $0x80, s5, s14, $0xb8;
	[tilespmem:$0x1F300] =	vst v63  }
0x26: {  	s5 =	simm.s32 $0x78  }
0x27: {  	[tilespmem:s20], [sflag:$0x4] =	stream.indirect.gather [hbm4b:s4+s14], $0x80, s5, s14, $0xb8;
	[tilespmem:$0x1F300] =	vst v63  }
0x28: {  	s5 =	simm.s32 $0xA0  }
0x29: {  	[tilespmem:s22], [sflag:$0x5] =	stream.indirect.gather [hbm4b:s4+s14], $0x80, s5, s14, $0xb8;
	[tilespmem:$0x1F300] =	vst v63  }
0x2a: {  	_ =	swait.ge [sflag:s23], $0x1400  }
0x2b: {  	[sflag:s23] =	ssyncset.done $0x0  }
0x2c: {  	[sflag:s23] =	ssyncadd.s32 $0xFFFFEC00  }
0x2d: {  	[spmem:s2] =	stream.indirect.scatter.add.f32 [tilespmem:s15], [sflag:$0x6], $0x80, s11, s14, $0xb8;
	[tilespmem:$0x1F300] =	vst v63  }
0x2e: {  	_ =	swait.ge [sflag:s24], $0x1400  }
0x2f: {  	[sflag:s24] =	ssyncset.done $0x0  }
0x30: {  	s5 =	simm.s32 $0x27A8;
	[sflag:s24] =	ssyncadd.s32 $0xFFFFEC00  }
0x31: {  	[spmem:s2] =	stream.indirect.scatter.add.f32 [tilespmem:s16], [sflag:$0x7], $0x80, s5, s14, $0xb8;
	[tilespmem:$0x1F300] =	vst v63  }
0x32: {  	_ =	swait.ge [sflag:s26], $0x1400  }
0x33: {  	[sflag:s26] =	ssyncset.done $0x0  }
0x34: {  	s5 =	simm.s32 $0x27D0;
	[sflag:s26] =	ssyncadd.s32 $0xFFFFEC00  }
0x35: {  	[spmem:s2] =	stream.indirect.scatter.add.f32 [tilespmem:s18], [sflag:$0x8], $0x80, s5, s14, $0xb8;
	[tilespmem:$0x1F300] =	vst v63  }
0x36: {  	_ =	swait.ge [sflag:s29], $0x1400  }
0x37: {  	[sflag:s29] =	ssyncset.done $0x0  }
0x38: {  	s5 =	simm.s32 $0x27F8;
	[sflag:s29] =	ssyncadd.s32 $0xFFFFEC00  }
0x39: {  	[spmem:s2] =	stream.indirect.scatter.add.f32 [tilespmem:s20], [sflag:$0x9], $0x80, s5, s14, $0xb8;
	[tilespmem:$0x1F300] =	vst v63  }
0x3a: {  	_ =	swait.ge [sflag:s31], $0x1400  }
0x3b: {  	[sflag:s31] =	ssyncset.done $0x0  }
0x3c: {  	s5 =	simm.s32 $0x2820;
	[sflag:s31] =	ssyncadd.s32 $0xFFFFEC00  }
0x3d: {  	[spmem:s2] =	stream.indirect.scatter.add.f32 [tilespmem:s22], [sflag:$0xA], $0x80, s5, s14, $0xb8;
	[tilespmem:$0x1F300] =	vst v63  }
0x3e: {  	_ =	swait.ge [sflag:s0], $0x1400  }
0x3f: {  	[sflag:s0] =	ssyncset.done $0x0  }
0x40: {  	s5 =	simm.s32 $0xC8;
	[sflag:s0] =	ssyncadd.s32 $0xFFFFEC00  }
0x41: {  	[tilespmem:s15], [sflag:$0x1] =	stream.indirect.gather [hbm4b:s4+s14], $0x80, s5, s14, $0xb8;
	[tilespmem:$0x1F300] =	vst v63  }
0x42: {  	_ =	swait.ge [sflag:s17], $0x1400  }
0x43: {  	[sflag:s17] =	ssyncset.done $0x0  }
0x44: {  	s5 =	simm.s32 $0xF0;
	[sflag:s17] =	ssyncadd.s32 $0xFFFFEC00  }
0x45: {  	[tilespmem:s16], [sflag:$0x2] =	stream.indirect.gather [hbm4b:s4+s14], $0x80, s5, s14, $0xb8;
	[tilespmem:$0x1F300] =	vst v63  }
0x46: {  	_ =	swait.ge [sflag:s19], $0x1400  }
0x47: {  	[sflag:s19] =	ssyncset.done $0x0  }
0x48: {  	s5 =	simm.s32 $0x118;
	[sflag:s19] =	ssyncadd.s32 $0xFFFFEC00  }
0x49: {  	[tilespmem:s18], [sflag:$0x3] =	stream.indirect.gather [hbm4b:s4+s14], $0x80, s5, s14, $0xb8;
	[tilespmem:$0x1F300] =	vst v63  }
0x4a: {  	_ =	swait.ge [sflag:s21], $0x1400  }
0x4b: {  	[sflag:s21] =	ssyncset.done $0x0  }
0x4c: {  	s5 =	simm.s32 $0x140;
	[sflag:s21] =	ssyncadd.s32 $0xFFFFEC00  }
0x4d: {  	[tilespmem:s20], [sflag:$0x4] =	stream.indirect.gather [hbm4b:s4+s14], $0x80, s5, s14, $0xb8;
	[tilespmem:$0x1F300] =	vst v63  }
0x4e: {  	_ =	swait.ge [sflag:s25], $0x1400  }
0x4f: {  	[sflag:s25] =	ssyncset.done $0x0  }
0x50: {  	s5 =	simm.s32 $0x168;
	[sflag:s25] =	ssyncadd.s32 $0xFFFFEC00  }
0x51: {  	[tilespmem:s22], [sflag:$0x5] =	stream.indirect.gather [hbm4b:s4+s14], $0x80, s5, s14, $0xb8;
	[tilespmem:$0x1F300] =	vst v63  }
0x52: {  	_ =	swait.ge [sflag:s23], $0x1400  }
0x53: {  	[sflag:s23] =	ssyncset.done $0x0  }
0x54: {  	s5 =	simm.s32 $0x2848;
	[sflag:s23] =	ssyncadd.s32 $0xFFFFEC00  }
0x55: {  	[spmem:s2] =	stream.indirect.scatter.add.f32 [tilespmem:s15], [sflag:$0x6], $0x80, s5, s14, $0xb8;
	[tilespmem:$0x1F300] =	vst v63  }
0x56: {  	_ =	swait.ge [sflag:s24], $0x1400  }
0x57: {  	[sflag:s24] =	ssyncset.done $0x0  }
0x58: {  	s5 =	simm.s32 $0x2870;
	[sflag:s24] =	ssyncadd.s32 $0xFFFFEC00  }
0x59: {  	[spmem:s2] =	stream.indirect.scatter.add.f32 [tilespmem:s16], [sflag:$0x7], $0x80, s5, s14, $0xb8;
	[tilespmem:$0x1F300] =	vst v63  }
0x5a: {  	_ =	swait.ge [sflag:s26], $0x1400  }
0x5b: {  	[sflag:s26] =	ssyncset.done $0x0  }
0x5c: {  	s5 =	simm.s32 $0x2898;
	[sflag:s26] =	ssyncadd.s32 $0xFFFFEC00  }
0x5d: {  	[spmem:s2] =	stream.indirect.scatter.add.f32 [tilespmem:s18], [sflag:$0x8], $0x80, s5, s14, $0xb8;
	[tilespmem:$0x1F300] =	vst v63  }
0x5e: {  	_ =	swait.ge [sflag:s29], $0x1400  }
0x5f: {  	[sflag:s29] =	ssyncset.done $0x0  }
0x60: {  	s5 =	simm.s32 $0x28C0;
	[sflag:s29] =	ssyncadd.s32 $0xFFFFEC00  }
0x61: {  	[spmem:s2] =	stream.indirect.scatter.add.f32 [tilespmem:s20], [sflag:$0x9], $0x80, s5, s14, $0xb8;
	[tilespmem:$0x1F300] =	vst v63  }
0x62: {  	_ =	swait.ge [sflag:s31], $0x1400  }
0x63: {  	[sflag:s31] =	ssyncset.done $0x0  }
0x64: {  	s30 =	simm.s32 $0x320;
	s1 =	simm.s32 $0x28E8;
	[sflag:s31] =	ssyncadd.s32 $0xFFFFEC00  }
.LBB2_2:
0x65: {  	[spmem:s2] =	stream.indirect.scatter.add.f32 [tilespmem:s22], [sflag:$0xA], $0x80, s1, s14, $0xb8;
	[tilespmem:$0x1F300] =	vst v63  }
0x66: {  	s1 =	smov.u32 s30  }
0x67: {  	p0 =	sne.s32 s30, $0x9600;
	s30 =	sadd.s32 $0x320, s30;
	_ =	swait.ge [sflag:s0], $0x1400  }
0x68: {  	s1 =	sshra.s32 s1, $0x2;
	[sflag:s0] =	ssyncset.done $0x0  }
0x69: {  	s5 =	sadd.s32 $0xC8, s1;
	[sflag:s0] =	ssyncadd.s32 $0xFFFFEC00  }
0x6a: {  	[tilespmem:s15], [sflag:$0x1] =	stream.indirect.gather [hbm4b:s4+s14], $0x80, s5, s14, $0xb8;
	[tilespmem:$0x1F300] =	vst v63  }
0x6b: {  	_ =	swait.ge [sflag:s17], $0x1400  }
0x6c: {  	[sflag:s17] =	ssyncset.done $0x0  }
0x6d: {  	s5 =	sadd.s32 $0xF0, s1;
	[sflag:s17] =	ssyncadd.s32 $0xFFFFEC00  }
0x6e: {  	[tilespmem:s16], [sflag:$0x2] =	stream.indirect.gather [hbm4b:s4+s14], $0x80, s5, s14, $0xb8;
	[tilespmem:$0x1F300] =	vst v63  }
0x6f: {  	_ =	swait.ge [sflag:s19], $0x1400  }
0x70: {  	[sflag:s19] =	ssyncset.done $0x0  }
0x71: {  	s5 =	sadd.s32 $0x118, s1;
	[sflag:s19] =	ssyncadd.s32 $0xFFFFEC00  }
0x72: {  	[tilespmem:s18], [sflag:$0x3] =	stream.indirect.gather [hbm4b:s4+s14], $0x80, s5, s14, $0xb8;
	[tilespmem:$0x1F300] =	vst v63  }
0x73: {  	_ =	swait.ge [sflag:s21], $0x1400  }
0x74: {  	[sflag:s21] =	ssyncset.done $0x0  }
0x75: {  	s5 =	sadd.s32 $0x140, s1;
	[sflag:s21] =	ssyncadd.s32 $0xFFFFEC00  }
0x76: {  	[tilespmem:s20], [sflag:$0x4] =	stream.indirect.gather [hbm4b:s4+s14], $0x80, s5, s14, $0xb8;
	[tilespmem:$0x1F300] =	vst v63  }
0x77: {  	_ =	swait.ge [sflag:s25], $0x1400  }
0x78: {  	[sflag:s25] =	ssyncset.done $0x0  }
0x79: {  	s5 =	sadd.s32 $0x168, s1;
	[sflag:s25] =	ssyncadd.s32 $0xFFFFEC00  }
0x7a: {  	[tilespmem:s22], [sflag:$0x5] =	stream.indirect.gather [hbm4b:s4+s14], $0x80, s5, s14, $0xb8;
	[tilespmem:$0x1F300] =	vst v63  }
0x7b: {  	_ =	swait.ge [sflag:s23], $0x1400  }
0x7c: {  	[sflag:s23] =	ssyncset.done $0x0  }
0x7d: {  	s5 =	sadd.s32 $0x2848, s1;
	[sflag:s23] =	ssyncadd.s32 $0xFFFFEC00  }
0x7e: {  	[spmem:s2] =	stream.indirect.scatter.add.f32 [tilespmem:s15], [sflag:$0x6], $0x80, s5, s14, $0xb8;
	[tilespmem:$0x1F300] =	vst v63  }
0x7f: {  	_ =	swait.ge [sflag:s24], $0x1400  }
0x80: {  	[sflag:s24] =	ssyncset.done $0x0  }
0x81: {  	s5 =	sadd.s32 $0x2870, s1;
	[sflag:s24] =	ssyncadd.s32 $0xFFFFEC00  }
0x82: {  	[spmem:s2] =	stream.indirect.scatter.add.f32 [tilespmem:s16], [sflag:$0x7], $0x80, s5, s14, $0xb8;
	[tilespmem:$0x1F300] =	vst v63  }
0x83: {  	_ =	swait.ge [sflag:s26], $0x1400  }
0x84: {  	[sflag:s26] =	ssyncset.done $0x0  }
0x85: {  	s5 =	sadd.s32 $0x2898, s1;
	[sflag:s26] =	ssyncadd.s32 $0xFFFFEC00  }
0x86: {  	[spmem:s2] =	stream.indirect.scatter.add.f32 [tilespmem:s18], [sflag:$0x8], $0x80, s5, s14, $0xb8;
	[tilespmem:$0x1F300] =	vst v63  }
0x87: {  	_ =	swait.ge [sflag:s29], $0x1400  }
0x88: {  	[sflag:s29] =	ssyncset.done $0x0  }
.Ltmp0:
0x89: {  	s5 =	sadd.s32 $0x28C0, s1;
	[sflag:s29] =	ssyncadd.s32 $0xFFFFEC00;
	(pc) =	sbr.rel @p0 .LBB2_2-.Ltmp0, $4  }
0x8a: {  	[spmem:s2] =	stream.indirect.scatter.add.f32 [tilespmem:s20], [sflag:$0x9], $0x80, s5, s14, $0xb8;
	[tilespmem:$0x1F300] =	vst v63  }
0x8b: {  	_ =	swait.ge [sflag:s31], $0x1400  }
0x8c: {  	[sflag:s31] =	ssyncset.done $0x0  }
0x8d: {  	s1 =	sadd.s32 $0x28E8, s1;
	[sflag:s31] =	ssyncadd.s32 $0xFFFFEC00  }
0x8e: {  	[spmem:s2] =	stream.indirect.scatter.add.f32 [tilespmem:s22], [sflag:$0xA], $0x80, s1, s14, $0xb8;
	[tilespmem:$0x1F300] =	vst v63  }
0x8f: {  	_ =	swait.ge [sflag:s0], $0x1400  }
0x90: {  	[sflag:s0] =	ssyncset.done $0x0  }
0x91: {  	[sflag:s0] =	ssyncadd.s32 $0xFFFFEC00  }
0x92: {  	_ =	swait.ge [sflag:s17], $0x1400  }
0x93: {  	[sflag:s17] =	ssyncset.done $0x0  }
0x94: {  	[sflag:s17] =	ssyncadd.s32 $0xFFFFEC00  }
0x95: {  	_ =	swait.ge [sflag:s19], $0x1400  }
0x96: {  	[sflag:s19] =	ssyncset.done $0x0  }
0x97: {  	[sflag:s19] =	ssyncadd.s32 $0xFFFFEC00  }
0x98: {  	_ =	swait.ge [sflag:s21], $0x1400  }
0x99: {  	[sflag:s21] =	ssyncset.done $0x0  }
0x9a: {  	[sflag:s21] =	ssyncadd.s32 $0xFFFFEC00  }
0x9b: {  	_ =	swait.ge [sflag:s25], $0x1400  }
0x9c: {  	s28 =	sadd.s32 $0x1, s28;
	[sflag:s25] =	ssyncset.done $0x0  }
0x9d: {  	p0 =	sne.s32 s28, s9;
	[sflag:s25] =	ssyncadd.s32 $0xFFFFEC00  }
.Ltmp1:
0x9e: {  	[bflag:$0x0] =	sbarrier.arrive $0xFFFF;
	(pc) =	sbr.rel @p0 .LBB2_1-.Ltmp1, $4  }
0x9f: {  	[hbm:s8], [sflag:s12] =	dma.local [spmem:s13], $0x2800  }
0xa0: {  	_ =	swait.ge [sflag:s10], $0x2800  }
0xa1: {  	[sflag:s10] =	ssyncset.done $0x0  }
0xa2: {  	[sflag:s10] =	ssyncadd.s32 $0xFFFFD800  }
0xa3: {  	_ =	sfence.sel $0x180000  }
0xa4: {  	[bflag:$0x0] =	sbarrier.arrive $0xFFFF  }
0xa5: {  	_ =	strace $0x9000004D  }
0xa6: {  	s0 =	stileid.u32;
	[bflag:$0x2] =	sbarrier.arrive $0xFFFF  }
0xa7: {  	p0 =	sne.s32 s0, $0x0;
	s0 =	rddreg [dreg:$0x2]  }
0xa8: {  	s0 =	sadd.s32 @!p0 $0x100000, s0  }
0xa9: {  	[sflag:s0] =	ssyncadd.tile.s32 @!p0 $0x1;
	_ =	shalt  }
.Lfunc_end2:
_tile_overlayer_lowered:
.L_overlay_start_2:
0xaa: {  	(tag) =	ssettag $0x2  }
0xab: {  	s0 =	rddreg [dreg:$0x0];
	s2 =	stileid.u32  }
0xac: {  	s1 =	rddreg [dreg:$0x1];
	p0 =	sne.s32 s2, $0x0  }
0xad: {  	s3 =	rddreg [dreg:$0x2];
	[bflag:$0x3] =	sbarrier.arrive $0xFFFF;
	s2 =	simm.s32 @!p0 $0x1C0B  }
0xae: {  	[timem:s3], [sflag:s2] =	dma.local @!p0 [hbm:s0], s1  }
0xaf: {  	s0 =	simm.s32 @!p0 $0xB  }
0xb0: {  	_ =	swait.ge @!p0 [sflag:s0], s1  }
0xb1: {  	s1 =	ssub.s32 @!p0 $0x0, s1;
	[sflag:s0] =	ssyncset.done @!p0 $0x0  }
0xb2: {  	[sflag:s0] =	ssyncadd.s32 @!p0 s1  }
0xb3: {  	[bflag:$0x3] =	sbarrier.arrive $0xFFFF  }
0xb4: {  	_ =	shalt  }

// kernel: kernel.8.cloned.1.call-start
scs
__scs_entry_jumppad:
0x0: {  	(pc) =	sbr.rel $0x88, $3  }
0x1: {  	(tag) =	ssettag $0x0;
	lr =	simm.s32 $0x1  }
0x2: {  	[smem:$0x3F98] =	sst lr;
	_ =	strace $0xD0000000  }
0x3: {  	_ = 	snop  }
0x4: {  	_ = 	snop  }
0x5: {  	_ = 	snop  }
0x6: {  	_ = 	snop  }
0x7: {  	_ = 	snop  }
__scs_overlays_trampoline_lowered:
0x8: {  	[smem:$0x3FA7] =	sst s0  }
0x9: {  	[smem:$0x3FA8] =	sst s1  }
0xa: {  	[smem:$0x3FA9] =	sst s2  }
0xb: {  	[smem:$0x3FAA] =	sst s3  }
0xc: {  	[smem:$0x3FAB] =	sst s4  }
0xd: {  	[smem:$0x3FAC] =	sst s5  }
0xe: {  	[smem:$0x3FAD] =	sst s6  }
0xf: {  	[smem:$0x3FAE] =	sst s7  }
0x10: {  	[smem:$0x3FAF] =	sst s8  }
0x11: {  	[smem:$0x3FB0] =	sst s9;
	s0 =	simm.s32 @!p0 $0x0  }
0x12: {  	s1 =	sld [smem:$0x3F96];
	s0 =	simm.s32 @p0 $0x1  }
0x13: {  	[smem:$0x3FB1] =	sst s0;
	s0 =	simm.s32 @!p1 $0x0  }
0x14: {  	s2 =	sld [smem:$0x3F95];
	s0 =	simm.s32 @p1 $0x1  }
0x15: {  	[smem:$0x3FB2] =	sst s0;
	s0 =	simm.s32 @!p2 $0x0  }
0x16: {  	s3 =	sld [smem:$0x3FDB];
	s0 =	simm.s32 @p2 $0x1  }
0x17: {  	s4 =	simm.s32 $0x1BF5;
	[smem:$0x3FB4] =	sst s0  }
0x18: {  	s0 =	sld [smem:$0x3F97];
	_ =	swait.ge [sflag:s4], $0x0  }
0x19: {  	s7 =	sld [smem:$0x3F98]  }
0x1a: {  	s8 =	sadd.s32 $0xFFFFE003, lr  }
0x1b: {  	s9 =	sadd.s32 $0xFFFFFEF7, lr;
	s5 =	simm.s32 $0xFFFFFFFF;
	p2 =	slt.u32 s8, $0xFFFFF086  }
0x1c: {  	p1 =	slt.u32 s9, $0xF7A;
	s5 =	simm.s32 @!p2 $0x0  }
0x1d: {  	s5 =	simm.s32 @p1 $0x1;
	p0 =	seq.s32 s7, s2  }
0x1e: {  	s7 =	smul.u32 @!p0 $0xF7A, s2;
	p2 =	seq.s32 @!p0 s5, $0x0  }
0x1f: {  	s9 =	smul.u32 $0xF7A, s1;
	s8 =	simm.s32 @!p0 $0x1BF5;
	p2 =	por !p2, p0  }
0x20: {  	[sflag:s8] =	ssyncset.s32 @!p0 $0xFFFFF086;
	s6 =	sadd.s32 @!p0 s3, s7;
	s7 =	simm.s32 @!p0 $0x108  }
0x21: {  	s3 =	sadd.s32 s3, s9;
	s6 =	sadd.s32 @!p0 $0x88, s6;
	s7 =	simm.s32 @p2 $0x1082  }
0x22: {  	[simem:s7], [sflag:s8] =	dma.local @!p0 [hbm:s6], $0xF7A  }
0x23: {  	s9 =	sor.u32 $0xD0000000, s2;
	s6 =	simm.s32 $0x108;
	_ =	swait.ge @!p0 [sflag:s8], $0x0  }
0x24: {  	s3 =	sadd.s32 $0x88, s3;
	s6 =	simm.s32 @!p1 $0x1082;
	[sflag:s4] =	ssyncset.s32 $0xFFFFF086  }
0x25: {  	[simem:s6], [sflag:s4] =	dma.local [hbm:s3], $0xF7A  }
0x26: {  	[smem:$0x3F98] =	sst s1;
	(tag) =	ssettag s2;
	_ =	strace s9  }
0x27: {  	s1 =	sld [smem:$0x3FA8]  }
0x28: {  	s2 =	sld [smem:$0x3FA9]  }
0x29: {  	s4 =	sld [smem:$0x3FAB]  }
0x2a: {  	p0 =	seq.s32 s5, $0x0;
	s5 =	sld [smem:$0x3FAC]  }
0x2b: {  	s6 =	sld [smem:$0x3FAD]  }
0x2c: {  	s7 =	sld [smem:$0x3FAE]  }
0x2d: {  	s3 =	simm.s32 $0x108;
	s8 =	sld [smem:$0x3FAF]  }
0x2e: {  	s3 =	simm.s32 @!p0 $0x1082;
	s9 =	sld [smem:$0x3FB0]  }
0x2f: {  	lr =	sadd.s32 s0, s3;
	s0 =	sld [smem:$0x3FA7]  }
0x30: {  	s3 =	sld [smem:$0x3FAA]  }
0x31: {  	[smem:$0x3FB3] =	sst s10  }
0x32: {  	s10 =	sld [smem:$0x3FB1];
	_ =	sdelay $0x3  }
0x33: {  	p0 =	seq.s32 s10, $0x1;
	s10 =	sld [smem:$0x3FB3];
	_ =	sdelay $0x3  }
0x34: {  	[smem:$0x3FB3] =	sst s10  }
0x35: {  	s10 =	sld [smem:$0x3FB2];
	_ =	sdelay $0x3  }
0x36: {  	p1 =	seq.s32 s10, $0x1;
	s10 =	sld [smem:$0x3FB3];
	_ =	sdelay $0x3  }
0x37: {  	[smem:$0x3FB3] =	sst s10  }
0x38: {  	s10 =	sld [smem:$0x3FB4]  }
0x39: {  	_ = 	snop;
	(pc) =	sbr.ind lr, $3  }
0x3a: {  	_ = 	snop  }
0x3b: {  	_ = 	snop  }
0x3c: {  	p2 =	seq.s32 s10, $0x1;
	s10 =	sld [smem:$0x3FB3]  }
0x3d: {  	_ =	shalt  }
0x3e: {  	_ =	shalt  }
0x3f: {  	_ =	shalt  }
0x40: {  	_ =	shalt  }
0x41: {  	_ =	shalt  }
0x42: {  	_ =	shalt  }
0x43: {  	_ =	shalt  }
0x44: {  	_ =	shalt  }
0x45: {  	_ =	shalt  }
0x46: {  	_ =	shalt  }
0x47: {  	_ =	shalt  }
0x48: {  	_ =	shalt  }
0x49: {  	_ =	shalt  }
0x4a: {  	_ =	shalt  }
0x4b: {  	_ =	shalt  }
0x4c: {  	_ =	shalt  }
0x4d: {  	_ =	shalt  }
0x4e: {  	_ =	shalt  }
0x4f: {  	_ =	shalt  }
0x50: {  	_ =	shalt  }
0x51: {  	_ =	shalt  }
0x52: {  	_ =	shalt  }
0x53: {  	_ =	shalt  }
0x54: {  	_ =	shalt  }
0x55: {  	_ =	shalt  }
0x56: {  	_ =	shalt  }
0x57: {  	_ =	shalt  }
0x58: {  	_ =	shalt  }
0x59: {  	_ =	shalt  }
0x5a: {  	_ =	shalt  }
0x5b: {  	_ =	shalt  }
0x5c: {  	_ =	shalt  }
0x5d: {  	_ =	shalt  }
0x5e: {  	_ =	shalt  }
0x5f: {  	_ =	shalt  }
0x60: {  	_ =	shalt  }
0x61: {  	_ =	shalt  }
0x62: {  	_ =	shalt  }
0x63: {  	_ =	shalt  }
0x64: {  	_ =	shalt  }
0x65: {  	_ =	shalt  }
0x66: {  	_ =	shalt  }
0x67: {  	_ =	shalt  }
0x68: {  	_ =	shalt  }
0x69: {  	_ =	shalt  }
0x6a: {  	_ =	shalt  }
0x6b: {  	_ =	shalt  }
0x6c: {  	_ =	shalt  }
0x6d: {  	_ =	shalt  }
0x6e: {  	_ =	shalt  }
0x6f: {  	_ =	shalt  }
0x70: {  	_ =	shalt  }
0x71: {  	_ =	shalt  }
0x72: {  	_ =	shalt  }
0x73: {  	_ =	shalt  }
0x74: {  	_ =	shalt  }
0x75: {  	_ =	shalt  }
0x76: {  	_ =	shalt  }
0x77: {  	_ =	shalt  }
0x78: {  	_ =	shalt  }
0x79: {  	_ =	shalt  }
0x7a: {  	_ =	shalt  }
0x7b: {  	_ =	shalt  }
0x7c: {  	_ =	shalt  }
0x7d: {  	_ =	shalt  }
0x7e: {  	_ =	shalt  }
0x7f: {  	_ =	shalt  }
0x80: {  	_ =	shalt  }
0x81: {  	_ =	shalt  }
0x82: {  	_ =	shalt  }
0x83: {  	_ =	shalt  }
0x84: {  	_ =	shalt  }
0x85: {  	_ =	shalt  }
0x86: {  	_ =	shalt  }
0x87: {  	_ =	shalt  }
.Lfunc_end0:
.L_simem_size_0:
called_computation_lowered:
.L_overlay_start_0:
0x88: {  	s2 =	sld [smem:$0x3FD9]  }
0x89: {  	s3 =	sld [smem:$0x3FFE];
	_ =	sdelay $0x1  }
0x8a: {  	s1 =	srdreg.scid  }
0x8b: {  	s0 =	sand.u32 $0x1, s1  }
0x8c: {  	s16 =	sshll.u32 s0, $0xA;
	s2 =	sadd.s32 s3, s2  }
0x8d: {  	s2 =	sadd.s32 s2, s16  }
0x8e: {  	[smem:$0x3FBF] =	sst s2  }
0x8f: {  	_ = 	snop  }
0x90: {  	(tm) =	ssettm $0x1  }
0x91: {  	s17 =	sld [smem:$0x3FFB];
	_ =	sdelay $0x3  }
0x92: {  	_ =	strace s17  }
0x93: {  	s2 =	sld [smem:$0x3FFC];
	_ =	sdelay $0x3  }
0x94: {  	_ =	strace s2  }
0x95: {  	s2 =	sld [smem:$0x3FFD];
	_ =	sdelay $0x3  }
0x96: {  	_ =	strace s2  }
0x97: {  	_ =	strace $0x8FFFFFFF  }
0x98: {  	s18 =	sld [smem:$0x3FDB];
	_ =	sdelay $0x1  }
0x99: {  	s19 =	simm.s32 $_scs_section_size  }
0x9a: {  	s4 =	simm.s32 $_size__tile_overlayer_lowered;
	s5 =	simm.s32 $_tile_overlayer_lowered  }
0x9b: {  	s22 =	simm.s32 $0x1BFF;
	s21 =	sshll.u32 s5, $0x1;
	s2 =	sadd.s32 s19, s18  }
0x9c: {  	s6 =	simm.s32 $0x0;
	s20 =	sshll.u32 s4, $0x1;
	s4 =	sadd.s32 s21, s2  }
0x9d: {  	[timem:s6], [sflag:s22] =	dma.local [hbm:s4], s20  }
0x9e: {  	_ =	swait.ge [sflag:s22], s20  }
0x9f: {  	s3 =	ssub.s32 $0x0, s20;
	[sflag:s22] =	ssyncset.done $0x0  }
0xa0: {  	[sflag:s22] =	ssyncadd.s32 s3;
	_ =	sdelay $0x1  }
0xa1: {  	s23 =	simm.s32 $0x1B8B  }
0xa2: {  	_ =	swait.ge [sflag:s23], $0x1  }
0xa3: {  	[sflag:s23] =	ssyncset.done $0x0  }
0xa4: {  	s25 =	simm.s32 $0x1B8E;
	s24 =	sld [smem:$0x3FFE];
	[sflag:s23] =	ssyncadd.s32 $0xFFFFFFFF  }
0xa5: {  	s26 =	simm.s32 $execute0_lowered;
	[smem:$0x3FD2] =	sst s25  }
0xa6: {  	s4 =	sshll.u32 s26, $0x1;
	_ =	strace $0x80000046;
	[dreg:$0x1] =	wrdreg $0xFFFFFFFF  }
0xa7: {  	s28 =	simm.s32 $_size_execute0_lowered;
	s2 =	sadd.s32 s2, s4;
	[dreg:$0x0] =	wrdreg $0x0  }
0xa8: {  	s4 =	sshll.u32 s28, $0x1;
	[dreg:$0x2] =	wrdreg s2  }
0xa9: {  	[dreg:$0x3] =	wrdreg s4  }
0xaa: {  	[dreg:$0x4] =	wrdreg $0xC0  }
0xab: {  	_ =	task [dreg:s6], $0x5FFFF  }
0xac: {  	[dreg:$0x1] =	wrdreg $0xFFFFFFFF  }
0xad: {  	[dreg:$0x0] =	wrdreg $0x60  }
0xae: {  	[dreg:$0x2] =	wrdreg s24  }
0xaf: {  	[dreg:$0x3] =	wrdreg $0x4F800  }
0xb0: {  	[dreg:$0x4] =	wrdreg $0x9  }
0xb1: {  	_ =	task.clear_ibuf [dreg:s6], $0x5FFFF;
	_ =	strace $0x90000046  }
0xb2: {  	s29 =	simm.s32 $0x9;
	_ =	strace $0x80000048  }
0xb3: {  	_ =	swait.ge [sflag:s29], $0x1  }
0xb4: {  	[sflag:s29] =	ssyncadd.s32 $0xFFFFFFFF  }
0xb5: {  	_ =	strace $0x90000048  }
0xb6: {  	_ =	sfence  }
0xb7: {  	s30 =	sld [smem:$0x0];
	_ =	sdelay $0x2  }
0xb8: {  	s31 =	sshll.u32 s1, $0xD;
	s1 =	sshrl.u32 s1, $0x2  }
0xb9: {  	s3 =	sand.u32 $0x4000, s31;
	s1 =	sadd.s32 s1, s30  }
0xba: {  	s0 =	sor.u32 s3, s0;
	s1 =	sshll.u32 s1, $0x11  }
0xbb: {  	s0 =	sor.u32 s1, s0  }
0xbc: {  	s0 =	sadd.s32 $0x8F2B, s0  }
0xbd: {  	[sflag:s0] =	ssyncadd.remote.s32 $0x1  }
0xbe: {  	_ =	sfence.sel $0xFFFF  }
0xbf: {  	[dreg:$0x0] =	wrdreg $0xFFFFFFFF;
	(pc) =	sbr.abs _section_cstart, $3  }
0xc0: {  	[dreg:$0x1] =	wrdreg $0xFFFFFFFF  }
0xc1: {  	_ =	task.clear_ibuf [dreg:s6], $0x2FFFF;
	_ =	strace $0x9FFFFFFF  }
0xc2: {  	(tm) =	ssettm $0x7FFFFFFF  }
0xc3: {  	_ =	shalt  }
tec
execute0_lowered:
.L_overlay_start_1:
0x0: {  	(tag) =	ssettag $0x1  }
0x1: {  	s0 =	srdreg.scid;
	s6 =	rddreg [dreg:$0x0]  }
0x2: {  	s2 =	rddreg [dreg:$0x1];
	s3 =	simm.s32 $0x0;
	s13 =	simm.s32 $0x50  }
0x3: {  	s14 =	simm.s32 $0xA0;
	s15 =	simm.s32 $0xF0;
	s16 =	simm.s32 $0x140  }
0x4: {  	s17 =	simm.s32 $0x1;
	s18 =	simm.s32 $0x2;
	s19 =	simm.s32 $0x3  }
0x5: {  	s20 =	simm.s32 $0x4;
	s5 =	sand.u32 $0x1, s0;
	s0 =	stileid.u32  }
0x6: {  	s21 =	simm.s32 $0x5;
	s22 =	simm.s32 $0x0;
	s7 =	smul.u32 $0x2800, s0  }
0x7: {  	[smem:$0x7FF] =	sst s3;
	s1 =	sshll.u32 s5, $0x4;
	s8 =	smul.u32 $0x28000, s5  }
0x8: {  	s10 =	smul.u32 $0x50000, s0;
	s5 =	ssub.s32 $0x2, s5;
	s31 =	sshll.u32 s0, $0x6  }
0x9: {  	s4 =	sor.u32 s0, s1;
	s1 =	rddreg [dreg:$0x2];
	_ =	strace $0x80000047  }
0xa: {  	s28 =	sshrl.u32 s5, $0x1;
	s4 =	smul.u32 $0x4E2, s4;
	s11 =	sadd.s32 s7, s6  }
0xb: {  	s7 =	sadd.s32 s7, s8;
	s29 =	sshrl.u32 s10, $0x2;
	s30 =	ssub.s32 s5, s28  }
0xc: {  	s10 =	sor.u32 $0x1C06, s31;
	s7 =	sadd.s32 s7, s6;
	s12 =	sadd.s32 s29, s2  }
0xd: {  	s8 =	smax.u32 s30, $0x1;
	s9 =	sadd.s32 s4, s6;
	s4 =	sadd.s32 $0x3E400, s6  }
0xe: {  	s6 =	sadd.s32 $0x16400, s11;
	s7 =	sadd.s32 $0x3EA00, s7;
	s11 =	sshrl.u32 s12, $0x3  }
0xf: {  	s12 =	simm.s32 $0x2780;
	s5 =	sadd.s32 $0xC600, s9;
	s9 =	simm.s32 $0x6  }
.LBB2_1:
0x10: {  	[tilespmem:s3], [sflag:$0x6] =	stream.linear.gather [hbm4b:s5+s3], $0x2710, $0x38;
	[tilespmem:$0x18F80] =	vst v63  }
0x11: {  	_ =	swait.ge [sflag:s9], $0x2710  }
0x12: {  	[sflag:s9] =	ssyncset.done $0x0  }
0x13: {  	[sflag:s9] =	ssyncadd.s32 $0xFFFFD8F0  }
0x14: {  	[spmem:s11], [sflag:s10] =	dma.local [hbm:s6], $0x2800  }
0x15: {  	_ =	swait.ge [sflag:s9], $0x2800  }
0x16: {  	[sflag:s9] =	ssyncset.done $0x0  }
0x17: {  	[sflag:s9] =	ssyncadd.s32 $0xFFFFD800  }
0x18: {  	[tilespmem:s12], [sflag:$0x6] =	stream.linear.gather [hbm4b:s4+s3], $0x2800, $0x38;
	[tilespmem:$0x18F80] =	vst v63  }
0x19: {  	_ =	swait.ge [sflag:s9], $0x2800  }
0x1a: {  	[sflag:s9] =	ssyncset.done $0x0  }
0x1b: {  	[sflag:s9] =	ssyncadd.s32 $0xFFFFD800  }
0x1c: {  	[bflag:$0x0] =	sbarrier.arrive $0xFFFF  }
0x1d: {  	[spmem:s2] =	stream.indirect.scatter.add.f32 [tilespmem:s12], [sflag:$0x1], $0x80, s3, s13, $0xb8;
	[tilespmem:$0x18F80] =	vst v63  }
0x1e: {  	_ = 	snop  }
0x1f: {  	[spmem:s2] =	stream.indirect.scatter.add.f32 [tilespmem:s12], [sflag:$0x2], $0x80, s13, s13, $0xb8;
	[tilespmem:$0x18F80] =	vst v63  }
0x20: {  	_ = 	snop  }
0x21: {  	[spmem:s2] =	stream.indirect.scatter.add.f32 [tilespmem:s12], [sflag:$0x3], $0x80, s14, s13, $0xb8;
	[tilespmem:$0x18F80] =	vst v63  }
0x22: {  	_ = 	snop  }
0x23: {  	[spmem:s2] =	stream.indirect.scatter.add.f32 [tilespmem:s12], [sflag:$0x4], $0x80, s15, s13, $0xb8;
	[tilespmem:$0x18F80] =	vst v63  }
0x24: {  	_ = 	snop  }
0x25: {  	[spmem:s2] =	stream.indirect.scatter.add.f32 [tilespmem:s12], [sflag:$0x5], $0x80, s16, s13, $0xb8;
	[tilespmem:$0x18F80] =	vst v63  }
0x26: {  	_ =	swait.ge [sflag:s17], $0x2800  }
0x27: {  	[sflag:s17] =	ssyncset.done $0x0  }
0x28: {  	s23 =	simm.s32 $0x190;
	[sflag:s17] =	ssyncadd.s32 $0xFFFFD800  }
0x29: {  	[spmem:s2] =	stream.indirect.scatter.add.f32 [tilespmem:s12], [sflag:$0x1], $0x80, s23, s13, $0xb8;
	[tilespmem:$0x18F80] =	vst v63  }
0x2a: {  	_ =	swait.ge [sflag:s18], $0x2800  }
0x2b: {  	[sflag:s18] =	ssyncset.done $0x0  }
0x2c: {  	s29 =	simm.s32 $0x1E0;
	[sflag:s18] =	ssyncadd.s32 $0xFFFFD800  }
0x2d: {  	[spmem:s2] =	stream.indirect.scatter.add.f32 [tilespmem:s12], [sflag:$0x2], $0x80, s29, s13, $0xb8;
	[tilespmem:$0x18F80] =	vst v63  }
0x2e: {  	_ =	swait.ge [sflag:s19], $0x2800  }
0x2f: {  	[sflag:s19] =	ssyncset.done $0x0  }
0x30: {  	s30 =	simm.s32 $0x230;
	[sflag:s19] =	ssyncadd.s32 $0xFFFFD800  }
0x31: {  	[spmem:s2] =	stream.indirect.scatter.add.f32 [tilespmem:s12], [sflag:$0x3], $0x80, s30, s13, $0xb8;
	[tilespmem:$0x18F80] =	vst v63  }
0x32: {  	_ =	swait.ge [sflag:s20], $0x2800  }
0x33: {  	[sflag:s20] =	ssyncset.done $0x0  }
0x34: {  	s31 =	simm.s32 $0x280;
	[sflag:s20] =	ssyncadd.s32 $0xFFFFD800  }
0x35: {  	[spmem:s2] =	stream.indirect.scatter.add.f32 [tilespmem:s12], [sflag:$0x4], $0x80, s31, s13, $0xb8;
	[tilespmem:$0x18F80] =	vst v63  }
0x36: {  	_ =	swait.ge [sflag:s21], $0x2800  }
0x37: {  	[sflag:s21] =	ssyncset.done $0x0  }
0x38: {  	s24 =	simm.s32 $0x2D0;
	s23 =	simm.s32 $0xFFFF7040;
	[sflag:s21] =	ssyncadd.s32 $0xFFFFD800  }
.LBB2_2:
0x39: {  	[spmem:s2] =	stream.indirect.scatter.add.f32 [tilespmem:s12], [sflag:$0x5], $0x80, s24, s13, $0xb8;
	[tilespmem:$0x18F80] =	vst v63  }
0x3a: {  	s24 =	smov.u32 s23  }
0x3b: {  	p0 =	sne.s32 s23, $0xFFFFF9C0;
	s23 =	sadd.s32 $0x640, s23;
	_ =	swait.ge [sflag:s17], $0x2800  }
0x3c: {  	s24 =	sshra.s32 s24, $0x2;
	[sflag:s17] =	ssyncset.done $0x0  }
0x3d: {  	s25 =	sadd.s32 $0x2710, s24;
	[sflag:s17] =	ssyncadd.s32 $0xFFFFD800  }
0x3e: {  	[spmem:s2] =	stream.indirect.scatter.add.f32 [tilespmem:s12], [sflag:$0x1], $0x80, s25, s13, $0xb8;
	[tilespmem:$0x18F80] =	vst v63  }
0x3f: {  	_ =	swait.ge [sflag:s18], $0x2800  }
0x40: {  	[sflag:s18] =	ssyncset.done $0x0  }
0x41: {  	s25 =	sadd.s32 $0x2760, s24;
	[sflag:s18] =	ssyncadd.s32 $0xFFFFD800  }
0x42: {  	[spmem:s2] =	stream.indirect.scatter.add.f32 [tilespmem:s12], [sflag:$0x2], $0x80, s25, s13, $0xb8;
	[tilespmem:$0x18F80] =	vst v63  }
0x43: {  	_ =	swait.ge [sflag:s19], $0x2800  }
0x44: {  	[sflag:s19] =	ssyncset.done $0x0  }
0x45: {  	s25 =	sadd.s32 $0x27B0, s24;
	[sflag:s19] =	ssyncadd.s32 $0xFFFFD800  }
0x46: {  	[spmem:s2] =	stream.indirect.scatter.add.f32 [tilespmem:s12], [sflag:$0x3], $0x80, s25, s13, $0xb8;
	[tilespmem:$0x18F80] =	vst v63  }
0x47: {  	_ =	swait.ge [sflag:s20], $0x2800  }
0x48: {  	[sflag:s20] =	ssyncset.done $0x0  }
.Ltmp0:
0x49: {  	s25 =	sadd.s32 $0x2800, s24;
	[sflag:s20] =	ssyncadd.s32 $0xFFFFD800;
	(pc) =	sbr.rel @p0 .LBB2_2-.Ltmp0, $4  }
0x4a: {  	[spmem:s2] =	stream.indirect.scatter.add.f32 [tilespmem:s12], [sflag:$0x4], $0x80, s25, s13, $0xb8;
	[tilespmem:$0x18F80] =	vst v63  }
0x4b: {  	_ =	swait.ge [sflag:s21], $0x2800  }
0x4c: {  	[sflag:s21] =	ssyncset.done $0x0  }
0x4d: {  	s24 =	sadd.s32 $0x2850, s24;
	[sflag:s21] =	ssyncadd.s32 $0xFFFFD800  }
0x4e: {  	[spmem:s2] =	stream.indirect.scatter.add.f32 [tilespmem:s12], [sflag:$0x5], $0x80, s24, s13, $0xb8;
	[tilespmem:$0x18F80] =	vst v63  }
0x4f: {  	_ =	swait.ge [sflag:s17], $0x2800  }
0x50: {  	[sflag:s17] =	ssyncset.done $0x0  }
0x51: {  	[sflag:s17] =	ssyncadd.s32 $0xFFFFD800  }
0x52: {  	_ =	swait.ge [sflag:s18], $0x2800  }
0x53: {  	[sflag:s18] =	ssyncset.done $0x0  }
0x54: {  	[sflag:s18] =	ssyncadd.s32 $0xFFFFD800  }
0x55: {  	_ =	swait.ge [sflag:s19], $0x2800  }
0x56: {  	[sflag:s19] =	ssyncset.done $0x0  }
0x57: {  	[sflag:s19] =	ssyncadd.s32 $0xFFFFD800  }
0x58: {  	_ =	swait.ge [sflag:s20], $0x2800  }
0x59: {  	[sflag:s20] =	ssyncset.done $0x0  }
0x5a: {  	[sflag:s20] =	ssyncadd.s32 $0xFFFFD800  }
0x5b: {  	_ =	swait.ge [sflag:s21], $0x2800  }
0x5c: {  	s22 =	sadd.s32 $0x1, s22;
	[sflag:s21] =	ssyncset.done $0x0  }
0x5d: {  	p0 =	sne.s32 s22, s8;
	[sflag:s21] =	ssyncadd.s32 $0xFFFFD800  }
.Ltmp1:
0x5e: {  	[bflag:$0x0] =	sbarrier.arrive $0xFFFF;
	(pc) =	sbr.rel @p0 .LBB2_1-.Ltmp1, $4  }
0x5f: {  	[hbm:s7], [sflag:s10] =	dma.local [spmem:s11], $0x2800  }
0x60: {  	_ =	swait.ge [sflag:s9], $0x2800  }
0x61: {  	[sflag:s9] =	ssyncset.done $0x0  }
0x62: {  	[sflag:s9] =	ssyncadd.s32 $0xFFFFD800  }
0x63: {  	_ =	sfence.sel $0x180000  }
0x64: {  	[bflag:$0x0] =	sbarrier.arrive $0xFFFF  }
0x65: {  	p0 =	sne.s32 s0, $0x0;
	_ =	strace $0x90000047  }
0x66: {  	s0 =	sadd.s32 @!p0 $0x100000, s1;
	[bflag:$0x2] =	sbarrier.arrive $0xFFFF  }
0x67: {  	[sflag:s0] =	ssyncadd.tile.s32 @!p0 $0x1;
	_ =	shalt  }
.Lfunc_end2:
_tile_overlayer_lowered:
.L_overlay_start_2:
0x68: {  	(tag) =	ssettag $0x2  }
0x69: {  	s0 =	rddreg [dreg:$0x0];
	s2 =	stileid.u32  }
0x6a: {  	s1 =	rddreg [dreg:$0x1];
	p0 =	sne.s32 s2, $0x0  }
0x6b: {  	s3 =	rddreg [dreg:$0x2];
	[bflag:$0x3] =	sbarrier.arrive $0xFFFF;
	s2 =	simm.s32 @!p0 $0x1C06  }
0x6c: {  	[timem:s3], [sflag:s2] =	dma.local @!p0 [hbm:s0], s1  }
0x6d: {  	s0 =	simm.s32 @!p0 $0x6  }
0x6e: {  	_ =	swait.ge @!p0 [sflag:s0], s1  }
0x6f: {  	s1 =	ssub.s32 @!p0 $0x0, s1;
	[sflag:s0] =	ssyncset.done @!p0 $0x0  }
0x70: {  	[sflag:s0] =	ssyncadd.s32 @!p0 s1  }
0x71: {  	[bflag:$0x3] =	sbarrier.arrive $0xFFFF  }
0x72: {  	_ =	shalt  }

</sc_bundles>
